<compile_context>
chip_gen: v7x
topology: tpu7x:2x2x1
jax: 0.10.2.dev20260603
libtpu: 0.0.44.dev20260713+nightly
codegen_flags: <defaults>
</compile_context>

<pallas_src>
import functools

import jax
import jax.numpy as jnp
from jax import lax
from jax.experimental import pallas as pl
from jax.experimental.pallas import tpu as pltpu
from jax.experimental.pallas import tpu_sc as plsc


def _pooled_sum_sc(tokens1d, table2, B, T, D):
    info = plsc.get_sparse_core_info()
    NC, NS, L = info.num_cores, info.num_subcores, info.num_lanes
    NW = NC * NS
    assert B % NW == 0
    b_per_w = B // NW
    n_tok = b_per_w * T
    mesh = plsc.VectorSubcoreMesh(core_axis_name="c", subcore_axis_name="s")
    NBUF = 2

    @functools.partial(
        pl.kernel,
        mesh=mesh,
        compiler_params=pltpu.CompilerParams(
            use_tc_tiling_on_sc=True, needs_layout_passes=False
        ),
        out_type=jax.ShapeDtypeStruct((B // 2, 2 * D), jnp.float32),
        scratch_types=[
            pltpu.VMEM((n_tok,), jnp.int32),
            pltpu.VMEM((n_tok,), jnp.int32),
            pltpu.VMEM((NBUF, T, 2 * D), jnp.float32),
            pltpu.VMEM((b_per_w // 2, 2 * D), jnp.float32),
            pltpu.SemaphoreType.DMA((NBUF,)),
        ],
    )
    def k(tok_hbm, table_hbm, out_hbm, flat_v, idx_v, rows_v, acc_v, sems):
        wid = lax.axis_index("s") * NC + lax.axis_index("c")
        base = wid * n_tok
        pltpu.sync_copy(tok_hbm.at[pl.ds(base, n_tok)], flat_v)

        def build_body(i, _):
            v = flat_v[pl.ds(i * L, L)]
            idx_v[pl.ds(i * L, L)] = lax.shift_right_logical(v, 1)
            return 0

        lax.fori_loop(0, n_tok // L, build_body, 0, unroll=8)

        def gather_start(row, b):
            pltpu.async_copy(
                table_hbm.at[idx_v.at[pl.ds(row * T, T)]],
                rows_v.at[b],
                sems.at[b],
            )

        def gather_wait(row, b):
            pltpu.make_async_copy(
                table_hbm.at[idx_v.at[pl.ds(row * T, T)]],
                rows_v.at[b],
                sems.at[b],
            ).wait()

        for b in range(NBUF):
            gather_start(b, b)

        def group_body(i, _):
            r0 = i * NBUF
            for b in range(NBUF):
                r = r0 + b

                gather_wait(r, b)

                def tok_body(t, acc):
                    p = r * T + t
                    tokv = plsc.load_gather(
                        flat_v, [jnp.full((L,), p, jnp.int32)]
                    )
                    jv = lax.shift_left(
                        lax.bitwise_and(tokv, 1), 6
                    ) + lax.iota(jnp.int32, L)
                    bidx = jnp.full((L,), b, jnp.int32)
                    tidx = jnp.full((L,), t, jnp.int32)
                    return tuple(
                        acc[j]
                        + plsc.load_gather(rows_v, [bidx, tidx, jv + j * L])
                        for j in range(D // L)
                    )

                zeros = tuple(
                    jnp.zeros((L,), jnp.float32) for _ in range(D // L)
                )
                acc = lax.fori_loop(0, T, tok_body, zeros, unroll=4)
                half = lax.mul(lax.bitwise_and(r, 1), D)
                for j in range(D // L):
                    acc_v[
                        lax.shift_right_logical(r, 1),
                        pl.ds(half + j * L, L),
                    ] = acc[j]

                @pl.when(r + NBUF < b_per_w)
                def _():
                    gather_start(r + NBUF, b)

            return 0

        lax.fori_loop(0, b_per_w // NBUF, group_body, 0)
        pltpu.sync_copy(
            acc_v, out_hbm.at[pl.ds(wid * (b_per_w // 2), b_per_w // 2)]
        )

    return k(tokens1d, table2)


def _mlp_tc(pooled_sum, W1, b1, W2, b2, T):
    B, D = pooled_sum.shape

    def body(x_ref, w1_ref, b1_ref, w2_ref, b2_ref, o_ref):
        x = x_ref[...] * (1.0 / T)
        h = jnp.dot(x, w1_ref[...], preferred_element_type=jnp.float32)
        h = jnp.maximum(h + b1_ref[...], 0.0)
        o_ref[...] = (
            jnp.dot(h, w2_ref[...], preferred_element_type=jnp.float32)
            + b2_ref[...]
        )

    out = pl.pallas_call(
        body,
        out_shape=jax.ShapeDtypeStruct((B, 1), jnp.float32),
    )(pooled_sum, W1, b1.reshape(1, D), W2, b2.reshape(1, 1))
    return jnp.squeeze(out, axis=-1)


def kernel(tokens, embed_table, W1, b1, W2, b2):
    B, T = tokens.shape
    V, D = embed_table.shape
    tokens1d = tokens.reshape(B * T)
    table2 = embed_table.reshape(V // 2, 2 * D)
    pooled2 = _pooled_sum_sc(tokens1d, table2, B, T, D)
    pooled_sum = pooled2.reshape(B, D)
    return _mlp_tc(pooled_sum, W1, b1, W2, b2, T)

# --- scband reference (transcript-rebuilt; emitter-appended) ---
"""Pipeline reference for scband-tiny-reward-model-12017318494624 (READ-ONLY COPY).

The authoritative reference and input builder live on the scoring server;
editing this copy changes nothing except your own understanding.
"""

import jax, jax.numpy as jnp
import numpy as np

VOCAB = 1000000
EMBED_DIM = 64
B = 4096
T = 200

def setup_inputs(seed: int = 0) -> dict:
    key = jax.random.key(seed)
    k_tok, k_emb, k_w1, k_b1, k_w2, k_b2 = jax.random.split(key, 6)
    tokens = jax.random.randint(k_tok, (B, T), 0, VOCAB, dtype=jnp.int64 if jax.config.jax_enable_x64 else jnp.int32).astype(jnp.int32)
    embed_table = jax.random.normal(k_emb, (VOCAB, EMBED_DIM), dtype=jnp.float32)
    # nn.Linear default init ~ U(-1/sqrt(fan_in), 1/sqrt(fan_in)); normal is fine for a reference
    W1 = jax.random.normal(k_w1, (EMBED_DIM, EMBED_DIM), dtype=jnp.float32) * (1.0 / np.sqrt(EMBED_DIM))
    b1 = jax.random.normal(k_b1, (EMBED_DIM,), dtype=jnp.float32) * 0.01
    W2 = jax.random.normal(k_w2, (EMBED_DIM, 1), dtype=jnp.float32) * (1.0 / np.sqrt(EMBED_DIM))
    b2 = jax.random.normal(k_b2, (1,), dtype=jnp.float32) * 0.01
    return {"tokens": tokens, "embed_table": embed_table, "W1": W1, "b1": b1, "W2": W2, "b2": b2}

def reference(tokens, embed_table, W1, b1, W2, b2):
    # tokens: (B, T) int -> embedding gather
    emb = jnp.take(embed_table, tokens, axis=0)      # (B, T, D)
    pool = jnp.mean(emb, axis=1)                     # (B, D)
    h = jax.nn.relu(pool @ W1 + b1)                  # (B, D)
    out = h @ W2 + b2                                # (B, 1)
    return jnp.squeeze(out, axis=-1)                 # (B,)

if __name__ == "__main__":
    import jax
    _d = setup_inputs()
    print(jax.jit(kernel)(*tuple(_d.values())))

</pallas_src>

<mosaic_0001>
#map = affine_map<(d0, d1) -> (0)>
#map1 = affine_map<(d0, d1) -> (0, 0)>
module attributes {stable_mosaic.version = 14 : i64} {
  func.func @k(%arg0: i32, %arg1: i32, %arg2: memref<819200xi32, #tpu.memory_space<hbm>>, %arg3: memref<500000x128xf32, #tpu.memory_space<hbm>>, %arg4: memref<2048x128xf32, #tpu.memory_space<hbm>>, %arg5: memref<25600xi32, #tpu.memory_space<vmem>>, %arg6: memref<25600xi32, #tpu.memory_space<vmem>>, %arg7: memref<2x200x128xf32, #tpu.memory_space<vmem>>, %arg8: memref<64x128xf32, #tpu.memory_space<vmem>>, %arg9: memref<2x!tpu.dma_semaphore, #tpu.memory_space<semaphore_mem>>) attributes {dimension_semantics = [#tpu.dimension_semantics<core_parallel>, #tpu.dimension_semantics<subcore_parallel>], iteration_bounds = array<i64: 2, 16>, scalar_prefetch = 0 : i64, scratch_operands = 5 : i64, tpu.core_type = #tpu.core_type<sc_vector_subcore>, window_params = [{transform_indices = #map}, {transform_indices = #map1}, {transform_indices = #map1}]} {
    %mul3A = arith.constant 2 : i32
    %mul3A_0 = arith.muli %arg1, %mul3A : i32
    %add3A = arith.addi %mul3A_0, %arg0 : i32
    %mul3A_1 = arith.constant 25600 : i32
    %mul3A_2 = arith.muli %add3A, %mul3A_1 : i32
    "tpu.region"() ({
      %run_scoped3A = tpu.sem_alloc : memref<!tpu.dma_semaphore, #tpu.memory_space<semaphore_mem>>
      %dma_start3A_43 = tpu.memref_slice %arg2[%mul3A_2] : memref<819200xi32, #tpu.memory_space<hbm>> -> memref<25600xi32, #tpu.memory_space<hbm>>
      %dma_start3A_44 = tpu.memref_slice %arg2[%mul3A_2] : memref<819200xi32, #tpu.memory_space<hbm>> -> memref<25600xi32, #tpu.memory_space<hbm>>
      tpu.enqueue_dma source(%dma_start3A_44 : memref<25600xi32, #tpu.memory_space<hbm>>) target(%arg5 : memref<25600xi32, #tpu.memory_space<vmem>>) target_semaphore(%run_scoped3A : memref<!tpu.dma_semaphore, #tpu.memory_space<semaphore_mem>>)
      %dma_wait3A = tpu.memref_slice %arg2[%mul3A_2] : memref<819200xi32, #tpu.memory_space<hbm>> -> memref<25600xi32, #tpu.memory_space<hbm>>
      %dma_wait3A_45 = tpu.memref_slice %arg2[%mul3A_2] : memref<819200xi32, #tpu.memory_space<hbm>> -> memref<25600xi32, #tpu.memory_space<hbm>>
      tpu.wait_dma2 semaphore(%run_scoped3A : memref<!tpu.dma_semaphore, #tpu.memory_space<semaphore_mem>>) src(%dma_wait3A_45 : memref<25600xi32, #tpu.memory_space<hbm>>) dst(%arg5 : memref<25600xi32, #tpu.memory_space<vmem>>)
      tpu.yield
    }) : () -> ()
    %scan3A = arith.constant 0 : i32
    %scan3A_3 = arith.constant 0 : i32
    %scan3A_4 = arith.constant 1600 : i32
    %scan3A_5 = arith.addi %scan3A_3, %scan3A_4 : i32
    %scan3A_6 = arith.constant 8 : i32
    %scan3A_7 = scf.for %scan3A_43 = %scan3A_3 to %scan3A_5 step %scan3A_6 iter_args(%scan3A_44 = %scan3A) -> (i32)  : i32 {
      %mul3A_45 = arith.constant 16 : i32
      %mul3A_46 = arith.muli %scan3A_43, %mul3A_45 : i32
      %get3A = arith.index_cast %mul3A_46 : i32 to index
      %get3A_47 = tpu.vector_load %arg5[%get3A] {strides = array<i32>} : memref<25600xi32, #tpu.memory_space<vmem>>, vector<16xi32>,
      %shift_right_logical3A = arith.constant 1 : i32
      %shift_right_logical3A_48 = vector.broadcast %shift_right_logical3A : i32 to vector<16xi32>
      %shift_right_logical3A_49 = arith.shrui %get3A_47, %shift_right_logical3A_48 : vector<16xi32>
      %mul3A_50 = arith.constant 16 : i32
      %mul3A_51 = arith.muli %scan3A_43, %mul3A_50 : i32
      %swap3A = arith.index_cast %mul3A_51 : i32 to index
      %swap3A_52 = tpu.vector_load %arg6[%swap3A] {strides = array<i32>} : memref<25600xi32, #tpu.memory_space<vmem>>, vector<16xi32>,
      tpu.vector_store %arg6[%swap3A], %shift_right_logical3A_49 {strides = array<i32>} : memref<25600xi32, #tpu.memory_space<vmem>>, vector<16xi32>,
      %scan3A_53 = arith.constant 0 : i32
      %scan3A_54 = arith.constant 1 : i32
      %scan3A_55 = arith.addi %scan3A_43, %scan3A_54 : i32
      %mul3A_56 = arith.constant 16 : i32
      %mul3A_57 = arith.muli %scan3A_55, %mul3A_56 : i32
      %get3A_58 = arith.index_cast %mul3A_57 : i32 to index
      %get3A_59 = tpu.vector_load %arg5[%get3A_58] {strides = array<i32>} : memref<25600xi32, #tpu.memory_space<vmem>>, vector<16xi32>,
      %shift_right_logical3A_60 = arith.constant 1 : i32
      %shift_right_logical3A_61 = vector.broadcast %shift_right_logical3A_60 : i32 to vector<16xi32>
      %shift_right_logical3A_62 = arith.shrui %get3A_59, %shift_right_logical3A_61 : vector<16xi32>
      %mul3A_63 = arith.constant 16 : i32
      %mul3A_64 = arith.muli %scan3A_55, %mul3A_63 : i32
      %swap3A_65 = arith.index_cast %mul3A_64 : i32 to index
      %swap3A_66 = tpu.vector_load %arg6[%swap3A_65] {strides = array<i32>} : memref<25600xi32, #tpu.memory_space<vmem>>, vector<16xi32>,
      tpu.vector_store %arg6[%swap3A_65], %shift_right_logical3A_62 {strides = array<i32>} : memref<25600xi32, #tpu.memory_space<vmem>>, vector<16xi32>,
      %scan3A_67 = arith.constant 0 : i32
      %scan3A_68 = arith.constant 2 : i32
      %scan3A_69 = arith.addi %scan3A_43, %scan3A_68 : i32
      %mul3A_70 = arith.constant 16 : i32
      %mul3A_71 = arith.muli %scan3A_69, %mul3A_70 : i32
      %get3A_72 = arith.index_cast %mul3A_71 : i32 to index
      %get3A_73 = tpu.vector_load %arg5[%get3A_72] {strides = array<i32>} : memref<25600xi32, #tpu.memory_space<vmem>>, vector<16xi32>,
      %shift_right_logical3A_74 = arith.constant 1 : i32
      %shift_right_logical3A_75 = vector.broadcast %shift_right_logical3A_74 : i32 to vector<16xi32>
      %shift_right_logical3A_76 = arith.shrui %get3A_73, %shift_right_logical3A_75 : vector<16xi32>
      %mul3A_77 = arith.constant 16 : i32
      %mul3A_78 = arith.muli %scan3A_69, %mul3A_77 : i32
      %swap3A_79 = arith.index_cast %mul3A_78 : i32 to index
      %swap3A_80 = tpu.vector_load %arg6[%swap3A_79] {strides = array<i32>} : memref<25600xi32, #tpu.memory_space<vmem>>, vector<16xi32>,
      tpu.vector_store %arg6[%swap3A_79], %shift_right_logical3A_76 {strides = array<i32>} : memref<25600xi32, #tpu.memory_space<vmem>>, vector<16xi32>,
      %scan3A_81 = arith.constant 0 : i32
      %scan3A_82 = arith.constant 3 : i32
      %scan3A_83 = arith.addi %scan3A_43, %scan3A_82 : i32
      %mul3A_84 = arith.constant 16 : i32
      %mul3A_85 = arith.muli %scan3A_83, %mul3A_84 : i32
      %get3A_86 = arith.index_cast %mul3A_85 : i32 to index
      %get3A_87 = tpu.vector_load %arg5[%get3A_86] {strides = array<i32>} : memref<25600xi32, #tpu.memory_space<vmem>>, vector<16xi32>,
      %shift_right_logical3A_88 = arith.constant 1 : i32
      %shift_right_logical3A_89 = vector.broadcast %shift_right_logical3A_88 : i32 to vector<16xi32>
      %shift_right_logical3A_90 = arith.shrui %get3A_87, %shift_right_logical3A_89 : vector<16xi32>
      %mul3A_91 = arith.constant 16 : i32
      %mul3A_92 = arith.muli %scan3A_83, %mul3A_91 : i32
      %swap3A_93 = arith.index_cast %mul3A_92 : i32 to index
      %swap3A_94 = tpu.vector_load %arg6[%swap3A_93] {strides = array<i32>} : memref<25600xi32, #tpu.memory_space<vmem>>, vector<16xi32>,
      tpu.vector_store %arg6[%swap3A_93], %shift_right_logical3A_90 {strides = array<i32>} : memref<25600xi32, #tpu.memory_space<vmem>>, vector<16xi32>,
      %scan3A_95 = arith.constant 0 : i32
      %scan3A_96 = arith.constant 4 : i32
      %scan3A_97 = arith.addi %scan3A_43, %scan3A_96 : i32
      %mul3A_98 = arith.constant 16 : i32
      %mul3A_99 = arith.muli %scan3A_97, %mul3A_98 : i32
      %get3A_100 = arith.index_cast %mul3A_99 : i32 to index
      %get3A_101 = tpu.vector_load %arg5[%get3A_100] {strides = array<i32>} : memref<25600xi32, #tpu.memory_space<vmem>>, vector<16xi32>,
      %shift_right_logical3A_102 = arith.constant 1 : i32
      %shift_right_logical3A_103 = vector.broadcast %shift_right_logical3A_102 : i32 to vector<16xi32>
      %shift_right_logical3A_104 = arith.shrui %get3A_101, %shift_right_logical3A_103 : vector<16xi32>
      %mul3A_105 = arith.constant 16 : i32
      %mul3A_106 = arith.muli %scan3A_97, %mul3A_105 : i32
      %swap3A_107 = arith.index_cast %mul3A_106 : i32 to index
      %swap3A_108 = tpu.vector_load %arg6[%swap3A_107] {strides = array<i32>} : memref<25600xi32, #tpu.memory_space<vmem>>, vector<16xi32>,
      tpu.vector_store %arg6[%swap3A_107], %shift_right_logical3A_104 {strides = array<i32>} : memref<25600xi32, #tpu.memory_space<vmem>>, vector<16xi32>,
      %scan3A_109 = arith.constant 0 : i32
      %scan3A_110 = arith.constant 5 : i32
      %scan3A_111 = arith.addi %scan3A_43, %scan3A_110 : i32
      %mul3A_112 = arith.constant 16 : i32
      %mul3A_113 = arith.muli %scan3A_111, %mul3A_112 : i32
      %get3A_114 = arith.index_cast %mul3A_113 : i32 to index
      %get3A_115 = tpu.vector_load %arg5[%get3A_114] {strides = array<i32>} : memref<25600xi32, #tpu.memory_space<vmem>>, vector<16xi32>,
      %shift_right_logical3A_116 = arith.constant 1 : i32
      %shift_right_logical3A_117 = vector.broadcast %shift_right_logical3A_116 : i32 to vector<16xi32>
      %shift_right_logical3A_118 = arith.shrui %get3A_115, %shift_right_logical3A_117 : vector<16xi32>
      %mul3A_119 = arith.constant 16 : i32
      %mul3A_120 = arith.muli %scan3A_111, %mul3A_119 : i32
      %swap3A_121 = arith.index_cast %mul3A_120 : i32 to index
      %swap3A_122 = tpu.vector_load %arg6[%swap3A_121] {strides = array<i32>} : memref<25600xi32, #tpu.memory_space<vmem>>, vector<16xi32>,
      tpu.vector_store %arg6[%swap3A_121], %shift_right_logical3A_118 {strides = array<i32>} : memref<25600xi32, #tpu.memory_space<vmem>>, vector<16xi32>,
      %scan3A_123 = arith.constant 0 : i32
      %scan3A_124 = arith.constant 6 : i32
      %scan3A_125 = arith.addi %scan3A_43, %scan3A_124 : i32
      %mul3A_126 = arith.constant 16 : i32
      %mul3A_127 = arith.muli %scan3A_125, %mul3A_126 : i32
      %get3A_128 = arith.index_cast %mul3A_127 : i32 to index
      %get3A_129 = tpu.vector_load %arg5[%get3A_128] {strides = array<i32>} : memref<25600xi32, #tpu.memory_space<vmem>>, vector<16xi32>,
      %shift_right_logical3A_130 = arith.constant 1 : i32
      %shift_right_logical3A_131 = vector.broadcast %shift_right_logical3A_130 : i32 to vector<16xi32>
      %shift_right_logical3A_132 = arith.shrui %get3A_129, %shift_right_logical3A_131 : vector<16xi32>
      %mul3A_133 = arith.constant 16 : i32
      %mul3A_134 = arith.muli %scan3A_125, %mul3A_133 : i32
      %swap3A_135 = arith.index_cast %mul3A_134 : i32 to index
      %swap3A_136 = tpu.vector_load %arg6[%swap3A_135] {strides = array<i32>} : memref<25600xi32, #tpu.memory_space<vmem>>, vector<16xi32>,
      tpu.vector_store %arg6[%swap3A_135], %shift_right_logical3A_132 {strides = array<i32>} : memref<25600xi32, #tpu.memory_space<vmem>>, vector<16xi32>,
      %scan3A_137 = arith.constant 0 : i32
      %scan3A_138 = arith.constant 7 : i32
      %scan3A_139 = arith.addi %scan3A_43, %scan3A_138 : i32
      %mul3A_140 = arith.constant 16 : i32
      %mul3A_141 = arith.muli %scan3A_139, %mul3A_140 : i32
      %get3A_142 = arith.index_cast %mul3A_141 : i32 to index
      %get3A_143 = tpu.vector_load %arg5[%get3A_142] {strides = array<i32>} : memref<25600xi32, #tpu.memory_space<vmem>>, vector<16xi32>,
      %shift_right_logical3A_144 = arith.constant 1 : i32
      %shift_right_logical3A_145 = vector.broadcast %shift_right_logical3A_144 : i32 to vector<16xi32>
      %shift_right_logical3A_146 = arith.shrui %get3A_143, %shift_right_logical3A_145 : vector<16xi32>
      %mul3A_147 = arith.constant 16 : i32
      %mul3A_148 = arith.muli %scan3A_139, %mul3A_147 : i32
      %swap3A_149 = arith.index_cast %mul3A_148 : i32 to index
      %swap3A_150 = tpu.vector_load %arg6[%swap3A_149] {strides = array<i32>} : memref<25600xi32, #tpu.memory_space<vmem>>, vector<16xi32>,
      tpu.vector_store %arg6[%swap3A_149], %shift_right_logical3A_146 {strides = array<i32>} : memref<25600xi32, #tpu.memory_space<vmem>>, vector<16xi32>,
      %scan3A_151 = arith.constant 0 : i32
      scf.yield %scan3A_151 : i32
    }
    %scan3A_8 = arith.constant 1600 : i32
    %dma_start3A = arith.constant 0 : i32
    %dma_start3A_9 = arith.constant 0 : i32
    %dma_start3A_10 = arith.constant 0 : i32
    %dma_start3A_11 = arith.constant 0 : i32
    %dma_start3A_12 = tpu.memref_slice %arg7[%dma_start3A, %dma_start3A_10, %dma_start3A_11] : memref<2x200x128xf32, #tpu.memory_space<vmem>> -> memref<1x200x128xf32, #tpu.memory_space<vmem>>
    %dma_start3A_13 = tpu.memref_squeeze %dma_start3A_12 : memref<1x200x128xf32, #tpu.memory_space<vmem>> -> memref<200x128xf32, #tpu.memory_space<vmem>>
    %dma_start3A_14 = arith.constant 0 : i32
    %dma_start3A_15 = tpu.memref_slice %arg6[%dma_start3A_14] : memref<25600xi32, #tpu.memory_space<vmem>> -> memref<200xi32, #tpu.memory_space<vmem>>
    %dma_start3A_16 = arith.constant 0 : i32
    %dma_start3A_17 = arith.constant 0 : i32
    %dma_start3A_18 = tpu.memref_slice %arg3[%dma_start3A_16, %dma_start3A_17] : memref<500000x128xf32, #tpu.memory_space<hbm>> -> memref<500000x128xf32, #tpu.memory_space<hbm>>
    %dma_start3A_19 = tpu.memref_slice %arg9[%dma_start3A_9] : memref<2x!tpu.dma_semaphore, #tpu.memory_space<semaphore_mem>> -> memref<1x!tpu.dma_semaphore, #tpu.memory_space<semaphore_mem>>
    %dma_start3A_20 = tpu.memref_squeeze %dma_start3A_19 : memref<1x!tpu.dma_semaphore, #tpu.memory_space<semaphore_mem>> -> memref<!tpu.dma_semaphore, #tpu.memory_space<semaphore_mem>>
    tpu.enqueue_indirect_dma source(%dma_start3A_18 : memref<500000x128xf32, #tpu.memory_space<hbm>>) target(%dma_start3A_13 : memref<200x128xf32, #tpu.memory_space<vmem>>) offsets(%dma_start3A_15 : memref<200xi32, #tpu.memory_space<vmem>>) semaphore(%dma_start3A_20 : memref<!tpu.dma_semaphore, #tpu.memory_space<semaphore_mem>>)
    %dma_start3A_21 = arith.constant 1 : i32
    %dma_start3A_22 = arith.constant 1 : i32
    %dma_start3A_23 = arith.constant 0 : i32
    %dma_start3A_24 = arith.constant 0 : i32
    %dma_start3A_25 = tpu.memref_slice %arg7[%dma_start3A_21, %dma_start3A_23, %dma_start3A_24] : memref<2x200x128xf32, #tpu.memory_space<vmem>> -> memref<1x200x128xf32, #tpu.memory_space<vmem>>
    %dma_start3A_26 = tpu.memref_squeeze %dma_start3A_25 : memref<1x200x128xf32, #tpu.memory_space<vmem>> -> memref<200x128xf32, #tpu.memory_space<vmem>>
    %dma_start3A_27 = arith.constant 200 : i32
    %dma_start3A_28 = tpu.memref_slice %arg6[%dma_start3A_27] : memref<25600xi32, #tpu.memory_space<vmem>> -> memref<200xi32, #tpu.memory_space<vmem>>
    %dma_start3A_29 = arith.constant 0 : i32
    %dma_start3A_30 = arith.constant 0 : i32
    %dma_start3A_31 = tpu.memref_slice %arg3[%dma_start3A_29, %dma_start3A_30] : memref<500000x128xf32, #tpu.memory_space<hbm>> -> memref<500000x128xf32, #tpu.memory_space<hbm>>
    %dma_start3A_32 = tpu.memref_slice %arg9[%dma_start3A_22] : memref<2x!tpu.dma_semaphore, #tpu.memory_space<semaphore_mem>> -> memref<1x!tpu.dma_semaphore, #tpu.memory_space<semaphore_mem>>
    %dma_start3A_33 = tpu.memref_squeeze %dma_start3A_32 : memref<1x!tpu.dma_semaphore, #tpu.memory_space<semaphore_mem>> -> memref<!tpu.dma_semaphore, #tpu.memory_space<semaphore_mem>>
    tpu.enqueue_indirect_dma source(%dma_start3A_31 : memref<500000x128xf32, #tpu.memory_space<hbm>>) target(%dma_start3A_26 : memref<200x128xf32, #tpu.memory_space<vmem>>) offsets(%dma_start3A_28 : memref<200xi32, #tpu.memory_space<vmem>>) semaphore(%dma_start3A_33 : memref<!tpu.dma_semaphore, #tpu.memory_space<semaphore_mem>>)
    %scan3A_34 = arith.constant 0 : i32
    %scan3A_35 = arith.constant 0 : i32
    %scan3A_36 = arith.constant 64 : i32
    %scan3A_37 = arith.addi %scan3A_35, %scan3A_36 : i32
    %scan3A_38 = arith.constant 1 : i32
    %scan3A_39 = scf.for %scan3A_43 = %scan3A_35 to %scan3A_37 step %scan3A_38 iter_args(%scan3A_44 = %scan3A_34) -> (i32)  : i32 {
      %mul3A_45 = arith.constant 2 : i32
      %mul3A_46 = arith.muli %scan3A_43, %mul3A_45 : i32
      %add3A_47 = arith.constant 0 : i32
      %add3A_48 = arith.addi %mul3A_46, %add3A_47 : i32
      %mul3A_49 = arith.constant 200 : i32
      %mul3A_50 = arith.muli %add3A_48, %mul3A_49 : i32
      %dma_wait3A = arith.constant 0 : i32
      %dma_wait3A_51 = arith.constant 0 : i32
      %dma_wait3A_52 = arith.constant 0 : i32
      %dma_wait3A_53 = arith.constant 0 : i32
      %dma_wait3A_54 = tpu.memref_slice %arg7[%dma_wait3A, %dma_wait3A_52, %dma_wait3A_53] : memref<2x200x128xf32, #tpu.memory_space<vmem>> -> memref<1x200x128xf32, #tpu.memory_space<vmem>>
      %dma_wait3A_55 = tpu.memref_squeeze %dma_wait3A_54 : memref<1x200x128xf32, #tpu.memory_space<vmem>> -> memref<200x128xf32, #tpu.memory_space<vmem>>
      %dma_wait3A_56 = tpu.memref_slice %arg6[%mul3A_50] : memref<25600xi32, #tpu.memory_space<vmem>> -> memref<200xi32, #tpu.memory_space<vmem>>
      %dma_wait3A_57 = arith.constant 0 : i32
      %dma_wait3A_58 = arith.constant 0 : i32
      %dma_wait3A_59 = tpu.memref_slice %arg3[%dma_wait3A_57, %dma_wait3A_58] : memref<500000x128xf32, #tpu.memory_space<hbm>> -> memref<500000x128xf32, #tpu.memory_space<hbm>>
      %dma_wait3A_60 = tpu.memref_slice %arg9[%dma_wait3A_51] : memref<2x!tpu.dma_semaphore, #tpu.memory_space<semaphore_mem>> -> memref<1x!tpu.dma_semaphore, #tpu.memory_space<semaphore_mem>>
      %dma_wait3A_61 = tpu.memref_squeeze %dma_wait3A_60 : memref<1x!tpu.dma_semaphore, #tpu.memory_space<semaphore_mem>> -> memref<!tpu.dma_semaphore, #tpu.memory_space<semaphore_mem>>
      tpu.wait_indirect_dma semaphore(%dma_wait3A_61 : memref<!tpu.dma_semaphore, #tpu.memory_space<semaphore_mem>>) src(%dma_wait3A_59 : memref<500000x128xf32, #tpu.memory_space<hbm>>) dst(%dma_wait3A_55 : memref<200x128xf32, #tpu.memory_space<vmem>>)
      %broadcast_in_dim3A = arith.constant 0.000000e+00 : f32
      %broadcast_in_dim3A_62 = vector.broadcast %broadcast_in_dim3A : f32 to vector<16xf32>
      %broadcast_in_dim3A_63 = arith.constant 0.000000e+00 : f32
      %broadcast_in_dim3A_64 = vector.broadcast %broadcast_in_dim3A_63 : f32 to vector<16xf32>
      %broadcast_in_dim3A_65 = arith.constant 0.000000e+00 : f32
      %broadcast_in_dim3A_66 = vector.broadcast %broadcast_in_dim3A_65 : f32 to vector<16xf32>
      %broadcast_in_dim3A_67 = arith.constant 0.000000e+00 : f32
      %broadcast_in_dim3A_68 = vector.broadcast %broadcast_in_dim3A_67 : f32 to vector<16xf32>
      %scan3A_69 = arith.constant 0 : i32
      %scan3A_70 = arith.constant 200 : i32
      %scan3A_71 = arith.addi %scan3A_69, %scan3A_70 : i32
      %scan3A_72 = arith.constant 4 : i32
      %scan3A_73:4 = scf.for %scan3A_178 = %scan3A_69 to %scan3A_71 step %scan3A_72 iter_args(%scan3A_179 = %broadcast_in_dim3A_62, %scan3A_180 = %broadcast_in_dim3A_64, %scan3A_181 = %broadcast_in_dim3A_66, %scan3A_182 = %broadcast_in_dim3A_68) -> (vector<16xf32>, vector<16xf32>, vector<16xf32>, vector<16xf32>)  : i32 {
        %mul3A_183 = arith.constant 200 : i32
        %mul3A_184 = arith.muli %add3A_48, %mul3A_183 : i32
        %add3A_185 = arith.addi %mul3A_184, %scan3A_178 : i32
        %broadcast_in_dim3A_186 = vector.broadcast %add3A_185 : i32 to vector<16xi32>
        %gather3A = tpu.vector_load_idx %arg5[%broadcast_in_dim3A_186] : memref<25600xi32, #tpu.memory_space<vmem>>[vector<16xi32>], vector<16xi32>,
        %and3A_187 = arith.constant 1 : i32
        %and3A_188 = vector.broadcast %and3A_187 : i32 to vector<16xi32>
        %and3A_189 = arith.andi %gather3A, %and3A_188 : vector<16xi32>
        %shift_left3A = arith.constant 6 : i32
        %shift_left3A_190 = vector.broadcast %shift_left3A : i32 to vector<16xi32>
        %shift_left3A_191 = arith.shli %and3A_189, %shift_left3A_190 : vector<16xi32>
        %iota3A = tpu.iota {dimensions = array<i32: 0>} : vector<16xi32>
        %add3A_192 = arith.addi %shift_left3A_191, %iota3A : vector<16xi32>
        %broadcast_in_dim3A_193 = arith.constant 0 : i32
        %broadcast_in_dim3A_194 = vector.broadcast %broadcast_in_dim3A_193 : i32 to vector<16xi32>
        %broadcast_in_dim3A_195 = vector.broadcast %scan3A_178 : i32 to vector<16xi32>
        %add3A_196 = arith.constant 0 : i32
        %add3A_197 = vector.broadcast %add3A_196 : i32 to vector<16xi32>
        %add3A_198 = arith.addi %add3A_192, %add3A_197 : vector<16xi32>
        %gather3A_199 = tpu.vector_load_idx %arg7[%broadcast_in_dim3A_194, %broadcast_in_dim3A_195, %add3A_198] : memref<2x200x128xf32, #tpu.memory_space<vmem>>[vector<16xi32>, vector<16xi32>, vector<16xi32>], vector<16xf32>,
        %add3A_200 = arith.addf %scan3A_179, %gather3A_199 : vector<16xf32>
        %add3A_201 = arith.constant 16 : i32
        %add3A_202 = vector.broadcast %add3A_201 : i32 to vector<16xi32>
        %add3A_203 = arith.addi %add3A_192, %add3A_202 : vector<16xi32>
        %gather3A_204 = tpu.vector_load_idx %arg7[%broadcast_in_dim3A_194, %broadcast_in_dim3A_195, %add3A_203] : memref<2x200x128xf32, #tpu.memory_space<vmem>>[vector<16xi32>, vector<16xi32>, vector<16xi32>], vector<16xf32>,
        %add3A_205 = arith.addf %scan3A_180, %gather3A_204 : vector<16xf32>
        %add3A_206 = arith.constant 32 : i32
        %add3A_207 = vector.broadcast %add3A_206 : i32 to vector<16xi32>
        %add3A_208 = arith.addi %add3A_192, %add3A_207 : vector<16xi32>
        %gather3A_209 = tpu.vector_load_idx %arg7[%broadcast_in_dim3A_194, %broadcast_in_dim3A_195, %add3A_208] : memref<2x200x128xf32, #tpu.memory_space<vmem>>[vector<16xi32>, vector<16xi32>, vector<16xi32>], vector<16xf32>,
        %add3A_210 = arith.addf %scan3A_181, %gather3A_209 : vector<16xf32>
        %add3A_211 = arith.constant 48 : i32
        %add3A_212 = vector.broadcast %add3A_211 : i32 to vector<16xi32>
        %add3A_213 = arith.addi %add3A_192, %add3A_212 : vector<16xi32>
        %gather3A_214 = tpu.vector_load_idx %arg7[%broadcast_in_dim3A_194, %broadcast_in_dim3A_195, %add3A_213] : memref<2x200x128xf32, #tpu.memory_space<vmem>>[vector<16xi32>, vector<16xi32>, vector<16xi32>], vector<16xf32>,
        %add3A_215 = arith.addf %scan3A_182, %gather3A_214 : vector<16xf32>
        %scan3A_216 = arith.constant 1 : i32
        %scan3A_217 = arith.addi %scan3A_178, %scan3A_216 : i32
        %mul3A_218 = arith.constant 200 : i32
        %mul3A_219 = arith.muli %add3A_48, %mul3A_218 : i32
        %add3A_220 = arith.addi %mul3A_219, %scan3A_217 : i32
        %broadcast_in_dim3A_221 = vector.broadcast %add3A_220 : i32 to vector<16xi32>
        %gather3A_222 = tpu.vector_load_idx %arg5[%broadcast_in_dim3A_221] : memref<25600xi32, #tpu.memory_space<vmem>>[vector<16xi32>], vector<16xi32>,
        %and3A_223 = arith.constant 1 : i32
        %and3A_224 = vector.broadcast %and3A_223 : i32 to vector<16xi32>
        %and3A_225 = arith.andi %gather3A_222, %and3A_224 : vector<16xi32>
        %shift_left3A_226 = arith.constant 6 : i32
        %shift_left3A_227 = vector.broadcast %shift_left3A_226 : i32 to vector<16xi32>
        %shift_left3A_228 = arith.shli %and3A_225, %shift_left3A_227 : vector<16xi32>
        %iota3A_229 = tpu.iota {dimensions = array<i32: 0>} : vector<16xi32>
        %add3A_230 = arith.addi %shift_left3A_228, %iota3A_229 : vector<16xi32>
        %broadcast_in_dim3A_231 = arith.constant 0 : i32
        %broadcast_in_dim3A_232 = vector.broadcast %broadcast_in_dim3A_231 : i32 to vector<16xi32>
        %broadcast_in_dim3A_233 = vector.broadcast %scan3A_217 : i32 to vector<16xi32>
        %add3A_234 = arith.constant 0 : i32
        %add3A_235 = vector.broadcast %add3A_234 : i32 to vector<16xi32>
        %add3A_236 = arith.addi %add3A_230, %add3A_235 : vector<16xi32>
        %gather3A_237 = tpu.vector_load_idx %arg7[%broadcast_in_dim3A_232, %broadcast_in_dim3A_233, %add3A_236] : memref<2x200x128xf32, #tpu.memory_space<vmem>>[vector<16xi32>, vector<16xi32>, vector<16xi32>], vector<16xf32>,
        %add3A_238 = arith.addf %add3A_200, %gather3A_237 : vector<16xf32>
        %add3A_239 = arith.constant 16 : i32
        %add3A_240 = vector.broadcast %add3A_239 : i32 to vector<16xi32>
        %add3A_241 = arith.addi %add3A_230, %add3A_240 : vector<16xi32>
        %gather3A_242 = tpu.vector_load_idx %arg7[%broadcast_in_dim3A_232, %broadcast_in_dim3A_233, %add3A_241] : memref<2x200x128xf32, #tpu.memory_space<vmem>>[vector<16xi32>, vector<16xi32>, vector<16xi32>], vector<16xf32>,
        %add3A_243 = arith.addf %add3A_205, %gather3A_242 : vector<16xf32>
        %add3A_244 = arith.constant 32 : i32
        %add3A_245 = vector.broadcast %add3A_244 : i32 to vector<16xi32>
        %add3A_246 = arith.addi %add3A_230, %add3A_245 : vector<16xi32>
        %gather3A_247 = tpu.vector_load_idx %arg7[%broadcast_in_dim3A_232, %broadcast_in_dim3A_233, %add3A_246] : memref<2x200x128xf32, #tpu.memory_space<vmem>>[vector<16xi32>, vector<16xi32>, vector<16xi32>], vector<16xf32>,
        %add3A_248 = arith.addf %add3A_210, %gather3A_247 : vector<16xf32>
        %add3A_249 = arith.constant 48 : i32
        %add3A_250 = vector.broadcast %add3A_249 : i32 to vector<16xi32>
        %add3A_251 = arith.addi %add3A_230, %add3A_250 : vector<16xi32>
        %gather3A_252 = tpu.vector_load_idx %arg7[%broadcast_in_dim3A_232, %broadcast_in_dim3A_233, %add3A_251] : memref<2x200x128xf32, #tpu.memory_space<vmem>>[vector<16xi32>, vector<16xi32>, vector<16xi32>], vector<16xf32>,
        %add3A_253 = arith.addf %add3A_215, %gather3A_252 : vector<16xf32>
        %scan3A_254 = arith.constant 2 : i32
        %scan3A_255 = arith.addi %scan3A_178, %scan3A_254 : i32
        %mul3A_256 = arith.constant 200 : i32
        %mul3A_257 = arith.muli %add3A_48, %mul3A_256 : i32
        %add3A_258 = arith.addi %mul3A_257, %scan3A_255 : i32
        %broadcast_in_dim3A_259 = vector.broadcast %add3A_258 : i32 to vector<16xi32>
        %gather3A_260 = tpu.vector_load_idx %arg5[%broadcast_in_dim3A_259] : memref<25600xi32, #tpu.memory_space<vmem>>[vector<16xi32>], vector<16xi32>,
        %and3A_261 = arith.constant 1 : i32
        %and3A_262 = vector.broadcast %and3A_261 : i32 to vector<16xi32>
        %and3A_263 = arith.andi %gather3A_260, %and3A_262 : vector<16xi32>
        %shift_left3A_264 = arith.constant 6 : i32
        %shift_left3A_265 = vector.broadcast %shift_left3A_264 : i32 to vector<16xi32>
        %shift_left3A_266 = arith.shli %and3A_263, %shift_left3A_265 : vector<16xi32>
        %iota3A_267 = tpu.iota {dimensions = array<i32: 0>} : vector<16xi32>
        %add3A_268 = arith.addi %shift_left3A_266, %iota3A_267 : vector<16xi32>
        %broadcast_in_dim3A_269 = arith.constant 0 : i32
        %broadcast_in_dim3A_270 = vector.broadcast %broadcast_in_dim3A_269 : i32 to vector<16xi32>
        %broadcast_in_dim3A_271 = vector.broadcast %scan3A_255 : i32 to vector<16xi32>
        %add3A_272 = arith.constant 0 : i32
        %add3A_273 = vector.broadcast %add3A_272 : i32 to vector<16xi32>
        %add3A_274 = arith.addi %add3A_268, %add3A_273 : vector<16xi32>
        %gather3A_275 = tpu.vector_load_idx %arg7[%broadcast_in_dim3A_270, %broadcast_in_dim3A_271, %add3A_274] : memref<2x200x128xf32, #tpu.memory_space<vmem>>[vector<16xi32>, vector<16xi32>, vector<16xi32>], vector<16xf32>,
        %add3A_276 = arith.addf %add3A_238, %gather3A_275 : vector<16xf32>
        %add3A_277 = arith.constant 16 : i32
        %add3A_278 = vector.broadcast %add3A_277 : i32 to vector<16xi32>
        %add3A_279 = arith.addi %add3A_268, %add3A_278 : vector<16xi32>
        %gather3A_280 = tpu.vector_load_idx %arg7[%broadcast_in_dim3A_270, %broadcast_in_dim3A_271, %add3A_279] : memref<2x200x128xf32, #tpu.memory_space<vmem>>[vector<16xi32>, vector<16xi32>, vector<16xi32>], vector<16xf32>,
        %add3A_281 = arith.addf %add3A_243, %gather3A_280 : vector<16xf32>
        %add3A_282 = arith.constant 32 : i32
        %add3A_283 = vector.broadcast %add3A_282 : i32 to vector<16xi32>
        %add3A_284 = arith.addi %add3A_268, %add3A_283 : vector<16xi32>
        %gather3A_285 = tpu.vector_load_idx %arg7[%broadcast_in_dim3A_270, %broadcast_in_dim3A_271, %add3A_284] : memref<2x200x128xf32, #tpu.memory_space<vmem>>[vector<16xi32>, vector<16xi32>, vector<16xi32>], vector<16xf32>,
        %add3A_286 = arith.addf %add3A_248, %gather3A_285 : vector<16xf32>
        %add3A_287 = arith.constant 48 : i32
        %add3A_288 = vector.broadcast %add3A_287 : i32 to vector<16xi32>
        %add3A_289 = arith.addi %add3A_268, %add3A_288 : vector<16xi32>
        %gather3A_290 = tpu.vector_load_idx %arg7[%broadcast_in_dim3A_270, %broadcast_in_dim3A_271, %add3A_289] : memref<2x200x128xf32, #tpu.memory_space<vmem>>[vector<16xi32>, vector<16xi32>, vector<16xi32>], vector<16xf32>,
        %add3A_291 = arith.addf %add3A_253, %gather3A_290 : vector<16xf32>
        %scan3A_292 = arith.constant 3 : i32
        %scan3A_293 = arith.addi %scan3A_178, %scan3A_292 : i32
        %mul3A_294 = arith.constant 200 : i32
        %mul3A_295 = arith.muli %add3A_48, %mul3A_294 : i32
        %add3A_296 = arith.addi %mul3A_295, %scan3A_293 : i32
        %broadcast_in_dim3A_297 = vector.broadcast %add3A_296 : i32 to vector<16xi32>
        %gather3A_298 = tpu.vector_load_idx %arg5[%broadcast_in_dim3A_297] : memref<25600xi32, #tpu.memory_space<vmem>>[vector<16xi32>], vector<16xi32>,
        %and3A_299 = arith.constant 1 : i32
        %and3A_300 = vector.broadcast %and3A_299 : i32 to vector<16xi32>
        %and3A_301 = arith.andi %gather3A_298, %and3A_300 : vector<16xi32>
        %shift_left3A_302 = arith.constant 6 : i32
        %shift_left3A_303 = vector.broadcast %shift_left3A_302 : i32 to vector<16xi32>
        %shift_left3A_304 = arith.shli %and3A_301, %shift_left3A_303 : vector<16xi32>
        %iota3A_305 = tpu.iota {dimensions = array<i32: 0>} : vector<16xi32>
        %add3A_306 = arith.addi %shift_left3A_304, %iota3A_305 : vector<16xi32>
        %broadcast_in_dim3A_307 = arith.constant 0 : i32
        %broadcast_in_dim3A_308 = vector.broadcast %broadcast_in_dim3A_307 : i32 to vector<16xi32>
        %broadcast_in_dim3A_309 = vector.broadcast %scan3A_293 : i32 to vector<16xi32>
        %add3A_310 = arith.constant 0 : i32
        %add3A_311 = vector.broadcast %add3A_310 : i32 to vector<16xi32>
        %add3A_312 = arith.addi %add3A_306, %add3A_311 : vector<16xi32>
        %gather3A_313 = tpu.vector_load_idx %arg7[%broadcast_in_dim3A_308, %broadcast_in_dim3A_309, %add3A_312] : memref<2x200x128xf32, #tpu.memory_space<vmem>>[vector<16xi32>, vector<16xi32>, vector<16xi32>], vector<16xf32>,
        %add3A_314 = arith.addf %add3A_276, %gather3A_313 : vector<16xf32>
        %add3A_315 = arith.constant 16 : i32
        %add3A_316 = vector.broadcast %add3A_315 : i32 to vector<16xi32>
        %add3A_317 = arith.addi %add3A_306, %add3A_316 : vector<16xi32>
        %gather3A_318 = tpu.vector_load_idx %arg7[%broadcast_in_dim3A_308, %broadcast_in_dim3A_309, %add3A_317] : memref<2x200x128xf32, #tpu.memory_space<vmem>>[vector<16xi32>, vector<16xi32>, vector<16xi32>], vector<16xf32>,
        %add3A_319 = arith.addf %add3A_281, %gather3A_318 : vector<16xf32>
        %add3A_320 = arith.constant 32 : i32
        %add3A_321 = vector.broadcast %add3A_320 : i32 to vector<16xi32>
        %add3A_322 = arith.addi %add3A_306, %add3A_321 : vector<16xi32>
        %gather3A_323 = tpu.vector_load_idx %arg7[%broadcast_in_dim3A_308, %broadcast_in_dim3A_309, %add3A_322] : memref<2x200x128xf32, #tpu.memory_space<vmem>>[vector<16xi32>, vector<16xi32>, vector<16xi32>], vector<16xf32>,
        %add3A_324 = arith.addf %add3A_286, %gather3A_323 : vector<16xf32>
        %add3A_325 = arith.constant 48 : i32
        %add3A_326 = vector.broadcast %add3A_325 : i32 to vector<16xi32>
        %add3A_327 = arith.addi %add3A_306, %add3A_326 : vector<16xi32>
        %gather3A_328 = tpu.vector_load_idx %arg7[%broadcast_in_dim3A_308, %broadcast_in_dim3A_309, %add3A_327] : memref<2x200x128xf32, #tpu.memory_space<vmem>>[vector<16xi32>, vector<16xi32>, vector<16xi32>], vector<16xf32>,
        %add3A_329 = arith.addf %add3A_291, %gather3A_328 : vector<16xf32>
        scf.yield %add3A_314, %add3A_319, %add3A_324, %add3A_329 : vector<16xf32>, vector<16xf32>, vector<16xf32>, vector<16xf32>
      }
      %scan3A_74 = arith.constant 200 : i32
      %and3A = arith.constant 1 : i32
      %and3A_75 = arith.andi %add3A_48, %and3A : i32
      %mul3A_76 = arith.constant 64 : i32
      %mul3A_77 = arith.muli %and3A_75, %mul3A_76 : i32
      %shift_right_logical3A = arith.constant 1 : i32
      %shift_right_logical3A_78 = arith.shrui %add3A_48, %shift_right_logical3A : i32
      %add3A_79 = arith.constant 0 : i32
      %add3A_80 = arith.addi %mul3A_77, %add3A_79 : i32
      %swap3A = arith.index_cast %shift_right_logical3A_78 : i32 to index
      %swap3A_81 = arith.index_cast %add3A_80 : i32 to index
      %swap3A_82 = tpu.vector_load %arg8[%swap3A, %swap3A_81] {strides = array<i32>} : memref<64x128xf32, #tpu.memory_space<vmem>>, vector<16xf32>,
      tpu.vector_store %arg8[%swap3A, %swap3A_81], %scan3A_73#0 {strides = array<i32>} : memref<64x128xf32, #tpu.memory_space<vmem>>, vector<16xf32>,
      %shift_right_logical3A_83 = arith.constant 1 : i32
      %shift_right_logical3A_84 = arith.shrui %add3A_48, %shift_right_logical3A_83 : i32
      %add3A_85 = arith.constant 16 : i32
      %add3A_86 = arith.addi %mul3A_77, %add3A_85 : i32
      %swap3A_87 = arith.index_cast %shift_right_logical3A_84 : i32 to index
      %swap3A_88 = arith.index_cast %add3A_86 : i32 to index
      %swap3A_89 = tpu.vector_load %arg8[%swap3A_87, %swap3A_88] {strides = array<i32>} : memref<64x128xf32, #tpu.memory_space<vmem>>, vector<16xf32>,
      tpu.vector_store %arg8[%swap3A_87, %swap3A_88], %scan3A_73#1 {strides = array<i32>} : memref<64x128xf32, #tpu.memory_space<vmem>>, vector<16xf32>,
      %shift_right_logical3A_90 = arith.constant 1 : i32
      %shift_right_logical3A_91 = arith.shrui %add3A_48, %shift_right_logical3A_90 : i32
      %add3A_92 = arith.constant 32 : i32
      %add3A_93 = arith.addi %mul3A_77, %add3A_92 : i32
      %swap3A_94 = arith.index_cast %shift_right_logical3A_91 : i32 to index
      %swap3A_95 = arith.index_cast %add3A_93 : i32 to index
      %swap3A_96 = tpu.vector_load %arg8[%swap3A_94, %swap3A_95] {strides = array<i32>} : memref<64x128xf32, #tpu.memory_space<vmem>>, vector<16xf32>,
      tpu.vector_store %arg8[%swap3A_94, %swap3A_95], %scan3A_73#2 {strides = array<i32>} : memref<64x128xf32, #tpu.memory_space<vmem>>, vector<16xf32>,
      %shift_right_logical3A_97 = arith.constant 1 : i32
      %shift_right_logical3A_98 = arith.shrui %add3A_48, %shift_right_logical3A_97 : i32
      %add3A_99 = arith.constant 48 : i32
      %add3A_100 = arith.addi %mul3A_77, %add3A_99 : i32
      %swap3A_101 = arith.index_cast %shift_right_logical3A_98 : i32 to index
      %swap3A_102 = arith.index_cast %add3A_100 : i32 to index
      %swap3A_103 = tpu.vector_load %arg8[%swap3A_101, %swap3A_102] {strides = array<i32>} : memref<64x128xf32, #tpu.memory_space<vmem>>, vector<16xf32>,
      tpu.vector_store %arg8[%swap3A_101, %swap3A_102], %scan3A_73#3 {strides = array<i32>} : memref<64x128xf32, #tpu.memory_space<vmem>>, vector<16xf32>,
      %add3A_104 = arith.constant 2 : i32
      %add3A_105 = arith.addi %add3A_48, %add3A_104 : i32
      %lt3A = arith.constant 128 : i32
      %lt3A_106 = arith.cmpi slt, %add3A_105, %lt3A : i32
      %convert_element_type3A = arith.extui %lt3A_106 : i1 to i32
      %cond3A = arith.constant 0 : i32
      %cond3A_107 = arith.cmpi ne, %convert_element_type3A, %cond3A : i32
      scf.if %cond3A_107 {
        %add3A_178 = arith.constant 2 : i32
        %add3A_179 = arith.addi %add3A_48, %add3A_178 : i32
        %mul3A_180 = arith.constant 200 : i32
        %mul3A_181 = arith.muli %add3A_179, %mul3A_180 : i32
        %dma_start3A_182 = arith.constant 0 : i32
        %dma_start3A_183 = arith.constant 0 : i32
        %dma_start3A_184 = arith.constant 0 : i32
        %dma_start3A_185 = arith.constant 0 : i32
        %dma_start3A_186 = tpu.memref_slice %arg7[%dma_start3A_182, %dma_start3A_184, %dma_start3A_185] : memref<2x200x128xf32, #tpu.memory_space<vmem>> -> memref<1x200x128xf32, #tpu.memory_space<vmem>>
        %dma_start3A_187 = tpu.memref_squeeze %dma_start3A_186 : memref<1x200x128xf32, #tpu.memory_space<vmem>> -> memref<200x128xf32, #tpu.memory_space<vmem>>
        %dma_start3A_188 = tpu.memref_slice %arg6[%mul3A_181] : memref<25600xi32, #tpu.memory_space<vmem>> -> memref<200xi32, #tpu.memory_space<vmem>>
        %dma_start3A_189 = arith.constant 0 : i32
        %dma_start3A_190 = arith.constant 0 : i32
        %dma_start3A_191 = tpu.memref_slice %arg3[%dma_start3A_189, %dma_start3A_190] : memref<500000x128xf32, #tpu.memory_space<hbm>> -> memref<500000x128xf32, #tpu.memory_space<hbm>>
        %dma_start3A_192 = tpu.memref_slice %arg9[%dma_start3A_183] : memref<2x!tpu.dma_semaphore, #tpu.memory_space<semaphore_mem>> -> memref<1x!tpu.dma_semaphore, #tpu.memory_space<semaphore_mem>>
        %dma_start3A_193 = tpu.memref_squeeze %dma_start3A_192 : memref<1x!tpu.dma_semaphore, #tpu.memory_space<semaphore_mem>> -> memref<!tpu.dma_semaphore, #tpu.memory_space<semaphore_mem>>
        tpu.enqueue_indirect_dma source(%dma_start3A_191 : memref<500000x128xf32, #tpu.memory_space<hbm>>) target(%dma_start3A_187 : memref<200x128xf32, #tpu.memory_space<vmem>>) offsets(%dma_start3A_188 : memref<200xi32, #tpu.memory_space<vmem>>) semaphore(%dma_start3A_193 : memref<!tpu.dma_semaphore, #tpu.memory_space<semaphore_mem>>)
      } else {
      }
      %add3A_108 = arith.constant 1 : i32
      %add3A_109 = arith.addi %mul3A_46, %add3A_108 : i32
      %mul3A_110 = arith.constant 200 : i32
      %mul3A_111 = arith.muli %add3A_109, %mul3A_110 : i32
      %dma_wait3A_112 = arith.constant 1 : i32
      %dma_wait3A_113 = arith.constant 1 : i32
      %dma_wait3A_114 = arith.constant 0 : i32
      %dma_wait3A_115 = arith.constant 0 : i32
      %dma_wait3A_116 = tpu.memref_slice %arg7[%dma_wait3A_112, %dma_wait3A_114, %dma_wait3A_115] : memref<2x200x128xf32, #tpu.memory_space<vmem>> -> memref<1x200x128xf32, #tpu.memory_space<vmem>>
      %dma_wait3A_117 = tpu.memref_squeeze %dma_wait3A_116 : memref<1x200x128xf32, #tpu.memory_space<vmem>> -> memref<200x128xf32, #tpu.memory_space<vmem>>
      %dma_wait3A_118 = tpu.memref_slice %arg6[%mul3A_111] : memref<25600xi32, #tpu.memory_space<vmem>> -> memref<200xi32, #tpu.memory_space<vmem>>
      %dma_wait3A_119 = arith.constant 0 : i32
      %dma_wait3A_120 = arith.constant 0 : i32
      %dma_wait3A_121 = tpu.memref_slice %arg3[%dma_wait3A_119, %dma_wait3A_120] : memref<500000x128xf32, #tpu.memory_space<hbm>> -> memref<500000x128xf32, #tpu.memory_space<hbm>>
      %dma_wait3A_122 = tpu.memref_slice %arg9[%dma_wait3A_113] : memref<2x!tpu.dma_semaphore, #tpu.memory_space<semaphore_mem>> -> memref<1x!tpu.dma_semaphore, #tpu.memory_space<semaphore_mem>>
      %dma_wait3A_123 = tpu.memref_squeeze %dma_wait3A_122 : memref<1x!tpu.dma_semaphore, #tpu.memory_space<semaphore_mem>> -> memref<!tpu.dma_semaphore, #tpu.memory_space<semaphore_mem>>
      tpu.wait_indirect_dma semaphore(%dma_wait3A_123 : memref<!tpu.dma_semaphore, #tpu.memory_space<semaphore_mem>>) src(%dma_wait3A_121 : memref<500000x128xf32, #tpu.memory_space<hbm>>) dst(%dma_wait3A_117 : memref<200x128xf32, #tpu.memory_space<vmem>>)
      %broadcast_in_dim3A_124 = arith.constant 0.000000e+00 : f32
      %broadcast_in_dim3A_125 = vector.broadcast %broadcast_in_dim3A_124 : f32 to vector<16xf32>
      %broadcast_in_dim3A_126 = arith.constant 0.000000e+00 : f32
      %broadcast_in_dim3A_127 = vector.broadcast %broadcast_in_dim3A_126 : f32 to vector<16xf32>
      %broadcast_in_dim3A_128 = arith.constant 0.000000e+00 : f32
      %broadcast_in_dim3A_129 = vector.broadcast %broadcast_in_dim3A_128 : f32 to vector<16xf32>
      %broadcast_in_dim3A_130 = arith.constant 0.000000e+00 : f32
      %broadcast_in_dim3A_131 = vector.broadcast %broadcast_in_dim3A_130 : f32 to vector<16xf32>
      %scan3A_132 = arith.constant 0 : i32
      %scan3A_133 = arith.constant 200 : i32
      %scan3A_134 = arith.addi %scan3A_132, %scan3A_133 : i32
      %scan3A_135 = arith.constant 4 : i32
      %scan3A_136:4 = scf.for %scan3A_178 = %scan3A_132 to %scan3A_134 step %scan3A_135 iter_args(%scan3A_179 = %broadcast_in_dim3A_125, %scan3A_180 = %broadcast_in_dim3A_127, %scan3A_181 = %broadcast_in_dim3A_129, %scan3A_182 = %broadcast_in_dim3A_131) -> (vector<16xf32>, vector<16xf32>, vector<16xf32>, vector<16xf32>)  : i32 {
        %mul3A_183 = arith.constant 200 : i32
        %mul3A_184 = arith.muli %add3A_109, %mul3A_183 : i32
        %add3A_185 = arith.addi %mul3A_184, %scan3A_178 : i32
        %broadcast_in_dim3A_186 = vector.broadcast %add3A_185 : i32 to vector<16xi32>
        %gather3A = tpu.vector_load_idx %arg5[%broadcast_in_dim3A_186] : memref<25600xi32, #tpu.memory_space<vmem>>[vector<16xi32>], vector<16xi32>,
        %and3A_187 = arith.constant 1 : i32
        %and3A_188 = vector.broadcast %and3A_187 : i32 to vector<16xi32>
        %and3A_189 = arith.andi %gather3A, %and3A_188 : vector<16xi32>
        %shift_left3A = arith.constant 6 : i32
        %shift_left3A_190 = vector.broadcast %shift_left3A : i32 to vector<16xi32>
        %shift_left3A_191 = arith.shli %and3A_189, %shift_left3A_190 : vector<16xi32>
        %iota3A = tpu.iota {dimensions = array<i32: 0>} : vector<16xi32>
        %add3A_192 = arith.addi %shift_left3A_191, %iota3A : vector<16xi32>
        %broadcast_in_dim3A_193 = arith.constant 1 : i32
        %broadcast_in_dim3A_194 = vector.broadcast %broadcast_in_dim3A_193 : i32 to vector<16xi32>
        %broadcast_in_dim3A_195 = vector.broadcast %scan3A_178 : i32 to vector<16xi32>
        %add3A_196 = arith.constant 0 : i32
        %add3A_197 = vector.broadcast %add3A_196 : i32 to vector<16xi32>
        %add3A_198 = arith.addi %add3A_192, %add3A_197 : vector<16xi32>
        %gather3A_199 = tpu.vector_load_idx %arg7[%broadcast_in_dim3A_194, %broadcast_in_dim3A_195, %add3A_198] : memref<2x200x128xf32, #tpu.memory_space<vmem>>[vector<16xi32>, vector<16xi32>, vector<16xi32>], vector<16xf32>,
        %add3A_200 = arith.addf %scan3A_179, %gather3A_199 : vector<16xf32>
        %add3A_201 = arith.constant 16 : i32
        %add3A_202 = vector.broadcast %add3A_201 : i32 to vector<16xi32>
        %add3A_203 = arith.addi %add3A_192, %add3A_202 : vector<16xi32>
        %gather3A_204 = tpu.vector_load_idx %arg7[%broadcast_in_dim3A_194, %broadcast_in_dim3A_195, %add3A_203] : memref<2x200x128xf32, #tpu.memory_space<vmem>>[vector<16xi32>, vector<16xi32>, vector<16xi32>], vector<16xf32>,
        %add3A_205 = arith.addf %scan3A_180, %gather3A_204 : vector<16xf32>
        %add3A_206 = arith.constant 32 : i32
        %add3A_207 = vector.broadcast %add3A_206 : i32 to vector<16xi32>
        %add3A_208 = arith.addi %add3A_192, %add3A_207 : vector<16xi32>
        %gather3A_209 = tpu.vector_load_idx %arg7[%broadcast_in_dim3A_194, %broadcast_in_dim3A_195, %add3A_208] : memref<2x200x128xf32, #tpu.memory_space<vmem>>[vector<16xi32>, vector<16xi32>, vector<16xi32>], vector<16xf32>,
        %add3A_210 = arith.addf %scan3A_181, %gather3A_209 : vector<16xf32>
        %add3A_211 = arith.constant 48 : i32
        %add3A_212 = vector.broadcast %add3A_211 : i32 to vector<16xi32>
        %add3A_213 = arith.addi %add3A_192, %add3A_212 : vector<16xi32>
        %gather3A_214 = tpu.vector_load_idx %arg7[%broadcast_in_dim3A_194, %broadcast_in_dim3A_195, %add3A_213] : memref<2x200x128xf32, #tpu.memory_space<vmem>>[vector<16xi32>, vector<16xi32>, vector<16xi32>], vector<16xf32>,
        %add3A_215 = arith.addf %scan3A_182, %gather3A_214 : vector<16xf32>
        %scan3A_216 = arith.constant 1 : i32
        %scan3A_217 = arith.addi %scan3A_178, %scan3A_216 : i32
        %mul3A_218 = arith.constant 200 : i32
        %mul3A_219 = arith.muli %add3A_109, %mul3A_218 : i32
        %add3A_220 = arith.addi %mul3A_219, %scan3A_217 : i32
        %broadcast_in_dim3A_221 = vector.broadcast %add3A_220 : i32 to vector<16xi32>
        %gather3A_222 = tpu.vector_load_idx %arg5[%broadcast_in_dim3A_221] : memref<25600xi32, #tpu.memory_space<vmem>>[vector<16xi32>], vector<16xi32>,
        %and3A_223 = arith.constant 1 : i32
        %and3A_224 = vector.broadcast %and3A_223 : i32 to vector<16xi32>
        %and3A_225 = arith.andi %gather3A_222, %and3A_224 : vector<16xi32>
        %shift_left3A_226 = arith.constant 6 : i32
        %shift_left3A_227 = vector.broadcast %shift_left3A_226 : i32 to vector<16xi32>
        %shift_left3A_228 = arith.shli %and3A_225, %shift_left3A_227 : vector<16xi32>
        %iota3A_229 = tpu.iota {dimensions = array<i32: 0>} : vector<16xi32>
        %add3A_230 = arith.addi %shift_left3A_228, %iota3A_229 : vector<16xi32>
        %broadcast_in_dim3A_231 = arith.constant 1 : i32
        %broadcast_in_dim3A_232 = vector.broadcast %broadcast_in_dim3A_231 : i32 to vector<16xi32>
        %broadcast_in_dim3A_233 = vector.broadcast %scan3A_217 : i32 to vector<16xi32>
        %add3A_234 = arith.constant 0 : i32
        %add3A_235 = vector.broadcast %add3A_234 : i32 to vector<16xi32>
        %add3A_236 = arith.addi %add3A_230, %add3A_235 : vector<16xi32>
        %gather3A_237 = tpu.vector_load_idx %arg7[%broadcast_in_dim3A_232, %broadcast_in_dim3A_233, %add3A_236] : memref<2x200x128xf32, #tpu.memory_space<vmem>>[vector<16xi32>, vector<16xi32>, vector<16xi32>], vector<16xf32>,
        %add3A_238 = arith.addf %add3A_200, %gather3A_237 : vector<16xf32>
        %add3A_239 = arith.constant 16 : i32
        %add3A_240 = vector.broadcast %add3A_239 : i32 to vector<16xi32>
        %add3A_241 = arith.addi %add3A_230, %add3A_240 : vector<16xi32>
        %gather3A_242 = tpu.vector_load_idx %arg7[%broadcast_in_dim3A_232, %broadcast_in_dim3A_233, %add3A_241] : memref<2x200x128xf32, #tpu.memory_space<vmem>>[vector<16xi32>, vector<16xi32>, vector<16xi32>], vector<16xf32>,
        %add3A_243 = arith.addf %add3A_205, %gather3A_242 : vector<16xf32>
        %add3A_244 = arith.constant 32 : i32
        %add3A_245 = vector.broadcast %add3A_244 : i32 to vector<16xi32>
        %add3A_246 = arith.addi %add3A_230, %add3A_245 : vector<16xi32>
        %gather3A_247 = tpu.vector_load_idx %arg7[%broadcast_in_dim3A_232, %broadcast_in_dim3A_233, %add3A_246] : memref<2x200x128xf32, #tpu.memory_space<vmem>>[vector<16xi32>, vector<16xi32>, vector<16xi32>], vector<16xf32>,
        %add3A_248 = arith.addf %add3A_210, %gather3A_247 : vector<16xf32>
        %add3A_249 = arith.constant 48 : i32
        %add3A_250 = vector.broadcast %add3A_249 : i32 to vector<16xi32>
        %add3A_251 = arith.addi %add3A_230, %add3A_250 : vector<16xi32>
        %gather3A_252 = tpu.vector_load_idx %arg7[%broadcast_in_dim3A_232, %broadcast_in_dim3A_233, %add3A_251] : memref<2x200x128xf32, #tpu.memory_space<vmem>>[vector<16xi32>, vector<16xi32>, vector<16xi32>], vector<16xf32>,
        %add3A_253 = arith.addf %add3A_215, %gather3A_252 : vector<16xf32>
        %scan3A_254 = arith.constant 2 : i32
        %scan3A_255 = arith.addi %scan3A_178, %scan3A_254 : i32
        %mul3A_256 = arith.constant 200 : i32
        %mul3A_257 = arith.muli %add3A_109, %mul3A_256 : i32
        %add3A_258 = arith.addi %mul3A_257, %scan3A_255 : i32
        %broadcast_in_dim3A_259 = vector.broadcast %add3A_258 : i32 to vector<16xi32>
        %gather3A_260 = tpu.vector_load_idx %arg5[%broadcast_in_dim3A_259] : memref<25600xi32, #tpu.memory_space<vmem>>[vector<16xi32>], vector<16xi32>,
        %and3A_261 = arith.constant 1 : i32
        %and3A_262 = vector.broadcast %and3A_261 : i32 to vector<16xi32>
        %and3A_263 = arith.andi %gather3A_260, %and3A_262 : vector<16xi32>
        %shift_left3A_264 = arith.constant 6 : i32
        %shift_left3A_265 = vector.broadcast %shift_left3A_264 : i32 to vector<16xi32>
        %shift_left3A_266 = arith.shli %and3A_263, %shift_left3A_265 : vector<16xi32>
        %iota3A_267 = tpu.iota {dimensions = array<i32: 0>} : vector<16xi32>
        %add3A_268 = arith.addi %shift_left3A_266, %iota3A_267 : vector<16xi32>
        %broadcast_in_dim3A_269 = arith.constant 1 : i32
        %broadcast_in_dim3A_270 = vector.broadcast %broadcast_in_dim3A_269 : i32 to vector<16xi32>
        %broadcast_in_dim3A_271 = vector.broadcast %scan3A_255 : i32 to vector<16xi32>
        %add3A_272 = arith.constant 0 : i32
        %add3A_273 = vector.broadcast %add3A_272 : i32 to vector<16xi32>
        %add3A_274 = arith.addi %add3A_268, %add3A_273 : vector<16xi32>
        %gather3A_275 = tpu.vector_load_idx %arg7[%broadcast_in_dim3A_270, %broadcast_in_dim3A_271, %add3A_274] : memref<2x200x128xf32, #tpu.memory_space<vmem>>[vector<16xi32>, vector<16xi32>, vector<16xi32>], vector<16xf32>,
        %add3A_276 = arith.addf %add3A_238, %gather3A_275 : vector<16xf32>
        %add3A_277 = arith.constant 16 : i32
        %add3A_278 = vector.broadcast %add3A_277 : i32 to vector<16xi32>
        %add3A_279 = arith.addi %add3A_268, %add3A_278 : vector<16xi32>
        %gather3A_280 = tpu.vector_load_idx %arg7[%broadcast_in_dim3A_270, %broadcast_in_dim3A_271, %add3A_279] : memref<2x200x128xf32, #tpu.memory_space<vmem>>[vector<16xi32>, vector<16xi32>, vector<16xi32>], vector<16xf32>,
        %add3A_281 = arith.addf %add3A_243, %gather3A_280 : vector<16xf32>
        %add3A_282 = arith.constant 32 : i32
        %add3A_283 = vector.broadcast %add3A_282 : i32 to vector<16xi32>
        %add3A_284 = arith.addi %add3A_268, %add3A_283 : vector<16xi32>
        %gather3A_285 = tpu.vector_load_idx %arg7[%broadcast_in_dim3A_270, %broadcast_in_dim3A_271, %add3A_284] : memref<2x200x128xf32, #tpu.memory_space<vmem>>[vector<16xi32>, vector<16xi32>, vector<16xi32>], vector<16xf32>,
        %add3A_286 = arith.addf %add3A_248, %gather3A_285 : vector<16xf32>
        %add3A_287 = arith.constant 48 : i32
        %add3A_288 = vector.broadcast %add3A_287 : i32 to vector<16xi32>
        %add3A_289 = arith.addi %add3A_268, %add3A_288 : vector<16xi32>
        %gather3A_290 = tpu.vector_load_idx %arg7[%broadcast_in_dim3A_270, %broadcast_in_dim3A_271, %add3A_289] : memref<2x200x128xf32, #tpu.memory_space<vmem>>[vector<16xi32>, vector<16xi32>, vector<16xi32>], vector<16xf32>,
        %add3A_291 = arith.addf %add3A_253, %gather3A_290 : vector<16xf32>
        %scan3A_292 = arith.constant 3 : i32
        %scan3A_293 = arith.addi %scan3A_178, %scan3A_292 : i32
        %mul3A_294 = arith.constant 200 : i32
        %mul3A_295 = arith.muli %add3A_109, %mul3A_294 : i32
        %add3A_296 = arith.addi %mul3A_295, %scan3A_293 : i32
        %broadcast_in_dim3A_297 = vector.broadcast %add3A_296 : i32 to vector<16xi32>
        %gather3A_298 = tpu.vector_load_idx %arg5[%broadcast_in_dim3A_297] : memref<25600xi32, #tpu.memory_space<vmem>>[vector<16xi32>], vector<16xi32>,
        %and3A_299 = arith.constant 1 : i32
        %and3A_300 = vector.broadcast %and3A_299 : i32 to vector<16xi32>
        %and3A_301 = arith.andi %gather3A_298, %and3A_300 : vector<16xi32>
        %shift_left3A_302 = arith.constant 6 : i32
        %shift_left3A_303 = vector.broadcast %shift_left3A_302 : i32 to vector<16xi32>
        %shift_left3A_304 = arith.shli %and3A_301, %shift_left3A_303 : vector<16xi32>
        %iota3A_305 = tpu.iota {dimensions = array<i32: 0>} : vector<16xi32>
        %add3A_306 = arith.addi %shift_left3A_304, %iota3A_305 : vector<16xi32>
        %broadcast_in_dim3A_307 = arith.constant 1 : i32
        %broadcast_in_dim3A_308 = vector.broadcast %broadcast_in_dim3A_307 : i32 to vector<16xi32>
        %broadcast_in_dim3A_309 = vector.broadcast %scan3A_293 : i32 to vector<16xi32>
        %add3A_310 = arith.constant 0 : i32
        %add3A_311 = vector.broadcast %add3A_310 : i32 to vector<16xi32>
        %add3A_312 = arith.addi %add3A_306, %add3A_311 : vector<16xi32>
        %gather3A_313 = tpu.vector_load_idx %arg7[%broadcast_in_dim3A_308, %broadcast_in_dim3A_309, %add3A_312] : memref<2x200x128xf32, #tpu.memory_space<vmem>>[vector<16xi32>, vector<16xi32>, vector<16xi32>], vector<16xf32>,
        %add3A_314 = arith.addf %add3A_276, %gather3A_313 : vector<16xf32>
        %add3A_315 = arith.constant 16 : i32
        %add3A_316 = vector.broadcast %add3A_315 : i32 to vector<16xi32>
        %add3A_317 = arith.addi %add3A_306, %add3A_316 : vector<16xi32>
        %gather3A_318 = tpu.vector_load_idx %arg7[%broadcast_in_dim3A_308, %broadcast_in_dim3A_309, %add3A_317] : memref<2x200x128xf32, #tpu.memory_space<vmem>>[vector<16xi32>, vector<16xi32>, vector<16xi32>], vector<16xf32>,
        %add3A_319 = arith.addf %add3A_281, %gather3A_318 : vector<16xf32>
        %add3A_320 = arith.constant 32 : i32
        %add3A_321 = vector.broadcast %add3A_320 : i32 to vector<16xi32>
        %add3A_322 = arith.addi %add3A_306, %add3A_321 : vector<16xi32>
        %gather3A_323 = tpu.vector_load_idx %arg7[%broadcast_in_dim3A_308, %broadcast_in_dim3A_309, %add3A_322] : memref<2x200x128xf32, #tpu.memory_space<vmem>>[vector<16xi32>, vector<16xi32>, vector<16xi32>], vector<16xf32>,
        %add3A_324 = arith.addf %add3A_286, %gather3A_323 : vector<16xf32>
        %add3A_325 = arith.constant 48 : i32
        %add3A_326 = vector.broadcast %add3A_325 : i32 to vector<16xi32>
        %add3A_327 = arith.addi %add3A_306, %add3A_326 : vector<16xi32>
        %gather3A_328 = tpu.vector_load_idx %arg7[%broadcast_in_dim3A_308, %broadcast_in_dim3A_309, %add3A_327] : memref<2x200x128xf32, #tpu.memory_space<vmem>>[vector<16xi32>, vector<16xi32>, vector<16xi32>], vector<16xf32>,
        %add3A_329 = arith.addf %add3A_291, %gather3A_328 : vector<16xf32>
        scf.yield %add3A_314, %add3A_319, %add3A_324, %add3A_329 : vector<16xf32>, vector<16xf32>, vector<16xf32>, vector<16xf32>
      }
      %scan3A_137 = arith.constant 200 : i32
      %and3A_138 = arith.constant 1 : i32
      %and3A_139 = arith.andi %add3A_109, %and3A_138 : i32
      %mul3A_140 = arith.constant 64 : i32
      %mul3A_141 = arith.muli %and3A_139, %mul3A_140 : i32
      %shift_right_logical3A_142 = arith.constant 1 : i32
      %shift_right_logical3A_143 = arith.shrui %add3A_109, %shift_right_logical3A_142 : i32
      %add3A_144 = arith.constant 0 : i32
      %add3A_145 = arith.addi %mul3A_141, %add3A_144 : i32
      %swap3A_146 = arith.index_cast %shift_right_logical3A_143 : i32 to index
      %swap3A_147 = arith.index_cast %add3A_145 : i32 to index
      %swap3A_148 = tpu.vector_load %arg8[%swap3A_146, %swap3A_147] {strides = array<i32>} : memref<64x128xf32, #tpu.memory_space<vmem>>, vector<16xf32>,
      tpu.vector_store %arg8[%swap3A_146, %swap3A_147], %scan3A_136#0 {strides = array<i32>} : memref<64x128xf32, #tpu.memory_space<vmem>>, vector<16xf32>,
      %shift_right_logical3A_149 = arith.constant 1 : i32
      %shift_right_logical3A_150 = arith.shrui %add3A_109, %shift_right_logical3A_149 : i32
      %add3A_151 = arith.constant 16 : i32
      %add3A_152 = arith.addi %mul3A_141, %add3A_151 : i32
      %swap3A_153 = arith.index_cast %shift_right_logical3A_150 : i32 to index
      %swap3A_154 = arith.index_cast %add3A_152 : i32 to index
      %swap3A_155 = tpu.vector_load %arg8[%swap3A_153, %swap3A_154] {strides = array<i32>} : memref<64x128xf32, #tpu.memory_space<vmem>>, vector<16xf32>,
      tpu.vector_store %arg8[%swap3A_153, %swap3A_154], %scan3A_136#1 {strides = array<i32>} : memref<64x128xf32, #tpu.memory_space<vmem>>, vector<16xf32>,
      %shift_right_logical3A_156 = arith.constant 1 : i32
      %shift_right_logical3A_157 = arith.shrui %add3A_109, %shift_right_logical3A_156 : i32
      %add3A_158 = arith.constant 32 : i32
      %add3A_159 = arith.addi %mul3A_141, %add3A_158 : i32
      %swap3A_160 = arith.index_cast %shift_right_logical3A_157 : i32 to index
      %swap3A_161 = arith.index_cast %add3A_159 : i32 to index
      %swap3A_162 = tpu.vector_load %arg8[%swap3A_160, %swap3A_161] {strides = array<i32>} : memref<64x128xf32, #tpu.memory_space<vmem>>, vector<16xf32>,
      tpu.vector_store %arg8[%swap3A_160, %swap3A_161], %scan3A_136#2 {strides = array<i32>} : memref<64x128xf32, #tpu.memory_space<vmem>>, vector<16xf32>,
      %shift_right_logical3A_163 = arith.constant 1 : i32
      %shift_right_logical3A_164 = arith.shrui %add3A_109, %shift_right_logical3A_163 : i32
      %add3A_165 = arith.constant 48 : i32
      %add3A_166 = arith.addi %mul3A_141, %add3A_165 : i32
      %swap3A_167 = arith.index_cast %shift_right_logical3A_164 : i32 to index
      %swap3A_168 = arith.index_cast %add3A_166 : i32 to index
      %swap3A_169 = tpu.vector_load %arg8[%swap3A_167, %swap3A_168] {strides = array<i32>} : memref<64x128xf32, #tpu.memory_space<vmem>>, vector<16xf32>,
      tpu.vector_store %arg8[%swap3A_167, %swap3A_168], %scan3A_136#3 {strides = array<i32>} : memref<64x128xf32, #tpu.memory_space<vmem>>, vector<16xf32>,
      %add3A_170 = arith.constant 2 : i32
      %add3A_171 = arith.addi %add3A_109, %add3A_170 : i32
      %lt3A_172 = arith.constant 128 : i32
      %lt3A_173 = arith.cmpi slt, %add3A_171, %lt3A_172 : i32
      %convert_element_type3A_174 = arith.extui %lt3A_173 : i1 to i32
      %cond3A_175 = arith.constant 0 : i32
      %cond3A_176 = arith.cmpi ne, %convert_element_type3A_174, %cond3A_175 : i32
      scf.if %cond3A_176 {
        %add3A_178 = arith.constant 2 : i32
        %add3A_179 = arith.addi %add3A_109, %add3A_178 : i32
        %mul3A_180 = arith.constant 200 : i32
        %mul3A_181 = arith.muli %add3A_179, %mul3A_180 : i32
        %dma_start3A_182 = arith.constant 1 : i32
        %dma_start3A_183 = arith.constant 1 : i32
        %dma_start3A_184 = arith.constant 0 : i32
        %dma_start3A_185 = arith.constant 0 : i32
        %dma_start3A_186 = tpu.memref_slice %arg7[%dma_start3A_182, %dma_start3A_184, %dma_start3A_185] : memref<2x200x128xf32, #tpu.memory_space<vmem>> -> memref<1x200x128xf32, #tpu.memory_space<vmem>>
        %dma_start3A_187 = tpu.memref_squeeze %dma_start3A_186 : memref<1x200x128xf32, #tpu.memory_space<vmem>> -> memref<200x128xf32, #tpu.memory_space<vmem>>
        %dma_start3A_188 = tpu.memref_slice %arg6[%mul3A_181] : memref<25600xi32, #tpu.memory_space<vmem>> -> memref<200xi32, #tpu.memory_space<vmem>>
        %dma_start3A_189 = arith.constant 0 : i32
        %dma_start3A_190 = arith.constant 0 : i32
        %dma_start3A_191 = tpu.memref_slice %arg3[%dma_start3A_189, %dma_start3A_190] : memref<500000x128xf32, #tpu.memory_space<hbm>> -> memref<500000x128xf32, #tpu.memory_space<hbm>>
        %dma_start3A_192 = tpu.memref_slice %arg9[%dma_start3A_183] : memref<2x!tpu.dma_semaphore, #tpu.memory_space<semaphore_mem>> -> memref<1x!tpu.dma_semaphore, #tpu.memory_space<semaphore_mem>>
        %dma_start3A_193 = tpu.memref_squeeze %dma_start3A_192 : memref<1x!tpu.dma_semaphore, #tpu.memory_space<semaphore_mem>> -> memref<!tpu.dma_semaphore, #tpu.memory_space<semaphore_mem>>
        tpu.enqueue_indirect_dma source(%dma_start3A_191 : memref<500000x128xf32, #tpu.memory_space<hbm>>) target(%dma_start3A_187 : memref<200x128xf32, #tpu.memory_space<vmem>>) offsets(%dma_start3A_188 : memref<200xi32, #tpu.memory_space<vmem>>) semaphore(%dma_start3A_193 : memref<!tpu.dma_semaphore, #tpu.memory_space<semaphore_mem>>)
      } else {
      }
      %scan3A_177 = arith.constant 0 : i32
      scf.yield %scan3A_177 : i32
    }
    %scan3A_40 = arith.constant 64 : i32
    %mul3A_41 = arith.constant 64 : i32
    %mul3A_42 = arith.muli %add3A, %mul3A_41 : i32
    "tpu.region"() ({
      %run_scoped3A = tpu.sem_alloc : memref<!tpu.dma_semaphore, #tpu.memory_space<semaphore_mem>>
      %dma_start3A_43 = arith.constant 0 : i32
      %dma_start3A_44 = tpu.memref_slice %arg4[%mul3A_42, %dma_start3A_43] : memref<2048x128xf32, #tpu.memory_space<hbm>> -> memref<64x128xf32, #tpu.memory_space<hbm>>
      %dma_start3A_45 = arith.constant 0 : i32
      %dma_start3A_46 = tpu.memref_slice %arg4[%mul3A_42, %dma_start3A_45] : memref<2048x128xf32, #tpu.memory_space<hbm>> -> memref<64x128xf32, #tpu.memory_space<hbm>>
      tpu.enqueue_dma source(%arg8 : memref<64x128xf32, #tpu.memory_space<vmem>>) target(%dma_start3A_46 : memref<64x128xf32, #tpu.memory_space<hbm>>) target_semaphore(%run_scoped3A : memref<!tpu.dma_semaphore, #tpu.memory_space<semaphore_mem>>)
      %dma_wait3A = arith.constant 0 : i32
      %dma_wait3A_47 = tpu.memref_slice %arg4[%mul3A_42, %dma_wait3A] : memref<2048x128xf32, #tpu.memory_space<hbm>> -> memref<64x128xf32, #tpu.memory_space<hbm>>
      %dma_wait3A_48 = arith.constant 0 : i32
      %dma_wait3A_49 = tpu.memref_slice %arg4[%mul3A_42, %dma_wait3A_48] : memref<2048x128xf32, #tpu.memory_space<hbm>> -> memref<64x128xf32, #tpu.memory_space<hbm>>
      tpu.wait_dma2 semaphore(%run_scoped3A : memref<!tpu.dma_semaphore, #tpu.memory_space<semaphore_mem>>) src(%arg8 : memref<64x128xf32, #tpu.memory_space<vmem>>) dst(%dma_wait3A_49 : memref<64x128xf32, #tpu.memory_space<hbm>>)
      tpu.yield
    }) : () -> ()
    return
  }
}

module attributes {stable_mosaic.version = 14 : i64} {
  func.func @body(%arg0: memref<4096x64xf32, #tpu.memory_space<vmem>>, %arg1: memref<64x64xf32, #tpu.memory_space<vmem>>, %arg2: memref<1x64xf32, #tpu.memory_space<vmem>>, %arg3: memref<64x1xf32, #tpu.memory_space<vmem>>, %arg4: memref<1x1xf32, #tpu.memory_space<vmem>>, %arg5: memref<4096x1xf32, #tpu.memory_space<vmem>>) attributes {dimension_semantics = [], scalar_prefetch = 0 : i64, scratch_operands = 0 : i64, tpu.core_type = #tpu.core_type<tc>} {
    %get3A = arith.constant 0 : index
    %get3A_0 = arith.constant 0 : index
    %get3A_1 = vector.load %arg0[%get3A, %get3A_0] : memref<4096x64xf32, #tpu.memory_space<vmem>>, vector<4096x64xf32>
    %mul3A = arith.constant 5.000000e-03 : f32
    %mul3A_2 = vector.broadcast %mul3A : f32 to vector<4096x64xf32>
    %mul3A_3 = arith.mulf %get3A_1, %mul3A_2 : vector<4096x64xf32>
    %get3A_4 = arith.constant 0 : index
    %get3A_5 = arith.constant 0 : index
    %get3A_6 = vector.load %arg1[%get3A_4, %get3A_5] : memref<64x64xf32, #tpu.memory_space<vmem>>, vector<64x64xf32>
    %dot_general3A = arith.constant dense<0.000000e+00> : vector<4096x64xf32>
    %dot_general3A_7 = tpu.matmul %mul3A_3, %get3A_6, %dot_general3A {dimension_numbers = #tpu.dot_dimension_numbers<[1], [0], [0], [1], [0, 0, 1, 1], [], []>, transpose_lhs_hint = false} : vector<4096x64xf32>, vector<64x64xf32>, vector<4096x64xf32> -> vector<4096x64xf32>
    %get3A_8 = arith.constant 0 : index
    %get3A_9 = arith.constant 0 : index
    %get3A_10 = vector.load %arg2[%get3A_8, %get3A_9] : memref<1x64xf32, #tpu.memory_space<vmem>>, vector<1x64xf32>
    %add3A = vector.broadcast %get3A_10 : vector<1x64xf32> to vector<4096x64xf32>
    %add3A_11 = arith.addf %dot_general3A_7, %add3A : vector<4096x64xf32>
    %max3A = arith.constant 0.000000e+00 : f32
    %max3A_12 = vector.broadcast %max3A : f32 to vector<4096x64xf32>
    %max3A_13 = arith.maximumf %add3A_11, %max3A_12 : vector<4096x64xf32>
    %get3A_14 = arith.constant 0 : index
    %get3A_15 = arith.constant 0 : index
    %get3A_16 = vector.load %arg3[%get3A_14, %get3A_15] : memref<64x1xf32, #tpu.memory_space<vmem>>, vector<64x1xf32>
    %dot_general3A_17 = arith.constant dense<0.000000e+00> : vector<4096x1xf32>
    %dot_general3A_18 = tpu.matmul %max3A_13, %get3A_16, %dot_general3A_17 {dimension_numbers = #tpu.dot_dimension_numbers<[1], [0], [0], [1], [0, 0, 1, 1], [], []>, transpose_lhs_hint = false} : vector<4096x64xf32>, vector<64x1xf32>, vector<4096x1xf32> -> vector<4096x1xf32>
    %get3A_19 = arith.constant 0 : index
    %get3A_20 = arith.constant 0 : index
    %get3A_21 = vector.load %arg4[%get3A_19, %get3A_20] : memref<1x1xf32, #tpu.memory_space<vmem>>, vector<1x1xf32>
    %add3A_22 = vector.broadcast %get3A_21 : vector<1x1xf32> to vector<4096x1xf32>
    %add3A_23 = arith.addf %dot_general3A_18, %add3A_22 : vector<4096x1xf32>
    %swap3A = arith.constant 0 : index
    %swap3A_24 = arith.constant 0 : index
    %swap3A_25 = vector.load %arg5[%swap3A, %swap3A_24] : memref<4096x1xf32, #tpu.memory_space<vmem>>, vector<4096x1xf32>
    tpu.vector_store %arg5[%swap3A, %swap3A_24], %add3A_23 {strides = array<i32>} : memref<4096x1xf32, #tpu.memory_space<vmem>>, vector<4096x1xf32>,
    return
  }
}

</mosaic_0001>

<sc_bundles>
// kernel: kernel.4.cloned.1.call-start
scs
__scs_entry_jumppad:
0x0: {  	(pc) =	sbr.rel $0x88, $3  }
0x1: {  	(tag) =	ssettag $0x0;
	lr =	simm.s32 $0x1  }
0x2: {  	[smem:$0x3F9B] =	sst lr;
	_ =	strace $0xD0000000  }
0x3: {  	_ = 	snop  }
0x4: {  	_ = 	snop  }
0x5: {  	_ = 	snop  }
0x6: {  	_ = 	snop  }
0x7: {  	_ = 	snop  }
__scs_overlays_trampoline_lowered:
0x8: {  	[smem:$0x3FAA] =	sst s0  }
0x9: {  	[smem:$0x3FAB] =	sst s1  }
0xa: {  	[smem:$0x3FAC] =	sst s2  }
0xb: {  	[smem:$0x3FAD] =	sst s3  }
0xc: {  	[smem:$0x3FAE] =	sst s4  }
0xd: {  	[smem:$0x3FAF] =	sst s5  }
0xe: {  	[smem:$0x3FB0] =	sst s6  }
0xf: {  	[smem:$0x3FB1] =	sst s7  }
0x10: {  	[smem:$0x3FB2] =	sst s8  }
0x11: {  	[smem:$0x3FB3] =	sst s9;
	s0 =	simm.s32 @!p0 $0x0  }
0x12: {  	s1 =	sld [smem:$0x3F99];
	s0 =	simm.s32 @p0 $0x1  }
0x13: {  	[smem:$0x3FB4] =	sst s0;
	s0 =	simm.s32 @!p1 $0x0  }
0x14: {  	s2 =	sld [smem:$0x3F98];
	s0 =	simm.s32 @p1 $0x1  }
0x15: {  	[smem:$0x3FB5] =	sst s0;
	s0 =	simm.s32 @!p2 $0x0  }
0x16: {  	s3 =	sld [smem:$0x3FDB];
	s0 =	simm.s32 @p2 $0x1  }
0x17: {  	s4 =	simm.s32 $0x1BF5;
	[smem:$0x3FB7] =	sst s0  }
0x18: {  	s0 =	sld [smem:$0x3F9A];
	_ =	swait.ge [sflag:s4], $0x0  }
0x19: {  	s7 =	sld [smem:$0x3F9B]  }
0x1a: {  	s8 =	sadd.s32 $0xFFFFE003, lr  }
0x1b: {  	s9 =	sadd.s32 $0xFFFFFEF7, lr;
	s5 =	simm.s32 $0xFFFFFFFF;
	p2 =	slt.u32 s8, $0xFFFFF086  }
0x1c: {  	p1 =	slt.u32 s9, $0xF7A;
	s5 =	simm.s32 @!p2 $0x0  }
0x1d: {  	s5 =	simm.s32 @p1 $0x1;
	p0 =	seq.s32 s7, s2  }
0x1e: {  	s7 =	smul.u32 @!p0 $0xF7A, s2;
	p2 =	seq.s32 @!p0 s5, $0x0  }
0x1f: {  	s9 =	smul.u32 $0xF7A, s1;
	s8 =	simm.s32 @!p0 $0x1BF5;
	p2 =	por !p2, p0  }
0x20: {  	[sflag:s8] =	ssyncset.s32 @!p0 $0xFFFFF086;
	s6 =	sadd.s32 @!p0 s3, s7;
	s7 =	simm.s32 @!p0 $0x108  }
0x21: {  	s3 =	sadd.s32 s3, s9;
	s6 =	sadd.s32 @!p0 $0x88, s6;
	s7 =	simm.s32 @p2 $0x1082  }
0x22: {  	[simem:s7], [sflag:s8] =	dma.local @!p0 [hbm:s6], $0xF7A  }
0x23: {  	s9 =	sor.u32 $0xD0000000, s2;
	s6 =	simm.s32 $0x108;
	_ =	swait.ge @!p0 [sflag:s8], $0x0  }
0x24: {  	s3 =	sadd.s32 $0x88, s3;
	s6 =	simm.s32 @!p1 $0x1082;
	[sflag:s4] =	ssyncset.s32 $0xFFFFF086  }
0x25: {  	[simem:s6], [sflag:s4] =	dma.local [hbm:s3], $0xF7A  }
0x26: {  	[smem:$0x3F9B] =	sst s1;
	(tag) =	ssettag s2;
	_ =	strace s9  }
0x27: {  	s1 =	sld [smem:$0x3FAB]  }
0x28: {  	s2 =	sld [smem:$0x3FAC]  }
0x29: {  	s4 =	sld [smem:$0x3FAE]  }
0x2a: {  	p0 =	seq.s32 s5, $0x0;
	s5 =	sld [smem:$0x3FAF]  }
0x2b: {  	s6 =	sld [smem:$0x3FB0]  }
0x2c: {  	s7 =	sld [smem:$0x3FB1]  }
0x2d: {  	s3 =	simm.s32 $0x108;
	s8 =	sld [smem:$0x3FB2]  }
0x2e: {  	s3 =	simm.s32 @!p0 $0x1082;
	s9 =	sld [smem:$0x3FB3]  }
0x2f: {  	lr =	sadd.s32 s0, s3;
	s0 =	sld [smem:$0x3FAA]  }
0x30: {  	s3 =	sld [smem:$0x3FAD]  }
0x31: {  	[smem:$0x3FB6] =	sst s10  }
0x32: {  	s10 =	sld [smem:$0x3FB4];
	_ =	sdelay $0x3  }
0x33: {  	p0 =	seq.s32 s10, $0x1;
	s10 =	sld [smem:$0x3FB6];
	_ =	sdelay $0x3  }
0x34: {  	[smem:$0x3FB6] =	sst s10  }
0x35: {  	s10 =	sld [smem:$0x3FB5];
	_ =	sdelay $0x3  }
0x36: {  	p1 =	seq.s32 s10, $0x1;
	s10 =	sld [smem:$0x3FB6];
	_ =	sdelay $0x3  }
0x37: {  	[smem:$0x3FB6] =	sst s10  }
0x38: {  	s10 =	sld [smem:$0x3FB7]  }
0x39: {  	_ = 	snop;
	(pc) =	sbr.ind lr, $3  }
0x3a: {  	_ = 	snop  }
0x3b: {  	_ = 	snop  }
0x3c: {  	p2 =	seq.s32 s10, $0x1;
	s10 =	sld [smem:$0x3FB6]  }
0x3d: {  	_ =	shalt  }
0x3e: {  	_ =	shalt  }
0x3f: {  	_ =	shalt  }
0x40: {  	_ =	shalt  }
0x41: {  	_ =	shalt  }
0x42: {  	_ =	shalt  }
0x43: {  	_ =	shalt  }
0x44: {  	_ =	shalt  }
0x45: {  	_ =	shalt  }
0x46: {  	_ =	shalt  }
0x47: {  	_ =	shalt  }
0x48: {  	_ =	shalt  }
0x49: {  	_ =	shalt  }
0x4a: {  	_ =	shalt  }
0x4b: {  	_ =	shalt  }
0x4c: {  	_ =	shalt  }
0x4d: {  	_ =	shalt  }
0x4e: {  	_ =	shalt  }
0x4f: {  	_ =	shalt  }
0x50: {  	_ =	shalt  }
0x51: {  	_ =	shalt  }
0x52: {  	_ =	shalt  }
0x53: {  	_ =	shalt  }
0x54: {  	_ =	shalt  }
0x55: {  	_ =	shalt  }
0x56: {  	_ =	shalt  }
0x57: {  	_ =	shalt  }
0x58: {  	_ =	shalt  }
0x59: {  	_ =	shalt  }
0x5a: {  	_ =	shalt  }
0x5b: {  	_ =	shalt  }
0x5c: {  	_ =	shalt  }
0x5d: {  	_ =	shalt  }
0x5e: {  	_ =	shalt  }
0x5f: {  	_ =	shalt  }
0x60: {  	_ =	shalt  }
0x61: {  	_ =	shalt  }
0x62: {  	_ =	shalt  }
0x63: {  	_ =	shalt  }
0x64: {  	_ =	shalt  }
0x65: {  	_ =	shalt  }
0x66: {  	_ =	shalt  }
0x67: {  	_ =	shalt  }
0x68: {  	_ =	shalt  }
0x69: {  	_ =	shalt  }
0x6a: {  	_ =	shalt  }
0x6b: {  	_ =	shalt  }
0x6c: {  	_ =	shalt  }
0x6d: {  	_ =	shalt  }
0x6e: {  	_ =	shalt  }
0x6f: {  	_ =	shalt  }
0x70: {  	_ =	shalt  }
0x71: {  	_ =	shalt  }
0x72: {  	_ =	shalt  }
0x73: {  	_ =	shalt  }
0x74: {  	_ =	shalt  }
0x75: {  	_ =	shalt  }
0x76: {  	_ =	shalt  }
0x77: {  	_ =	shalt  }
0x78: {  	_ =	shalt  }
0x79: {  	_ =	shalt  }
0x7a: {  	_ =	shalt  }
0x7b: {  	_ =	shalt  }
0x7c: {  	_ =	shalt  }
0x7d: {  	_ =	shalt  }
0x7e: {  	_ =	shalt  }
0x7f: {  	_ =	shalt  }
0x80: {  	_ =	shalt  }
0x81: {  	_ =	shalt  }
0x82: {  	_ =	shalt  }
0x83: {  	_ =	shalt  }
0x84: {  	_ =	shalt  }
0x85: {  	_ =	shalt  }
0x86: {  	_ =	shalt  }
0x87: {  	_ =	shalt  }
.Lfunc_end0:
.L_simem_size_0:
called_computation_lowered:
.L_overlay_start_0:
0x88: {  	s2 =	sld [smem:$0x3FD9]  }
0x89: {  	s3 =	sld [smem:$0x3FFE];
	_ =	sdelay $0x1  }
0x8a: {  	s1 =	srdreg.scid  }
0x8b: {  	s0 =	sand.u32 $0x1, s1  }
0x8c: {  	s16 =	sshll.u32 s0, $0xA;
	s2 =	sadd.s32 s3, s2  }
0x8d: {  	s2 =	sadd.s32 s2, s16  }
0x8e: {  	[smem:$0x3FC2] =	sst s2  }
0x8f: {  	_ = 	snop  }
0x90: {  	(tm) =	ssettm $0x1  }
0x91: {  	s17 =	sld [smem:$0x3FFB];
	_ =	sdelay $0x3  }
0x92: {  	_ =	strace s17  }
0x93: {  	s2 =	sld [smem:$0x3FFC];
	_ =	sdelay $0x3  }
0x94: {  	_ =	strace s2  }
0x95: {  	s2 =	sld [smem:$0x3FFD];
	_ =	sdelay $0x3  }
0x96: {  	_ =	strace s2  }
0x97: {  	_ =	strace $0x8FFFFFFF  }
0x98: {  	s18 =	sld [smem:$0x3FDB];
	_ =	sdelay $0x1  }
0x99: {  	s19 =	simm.s32 $_scs_section_size  }
0x9a: {  	s4 =	simm.s32 $_size__tile_overlayer_lowered;
	s5 =	simm.s32 $_tile_overlayer_lowered  }
0x9b: {  	s22 =	simm.s32 $0x1BFF;
	s21 =	sshll.u32 s5, $0x1;
	s2 =	sadd.s32 s19, s18  }
0x9c: {  	s6 =	simm.s32 $0x0;
	s20 =	sshll.u32 s4, $0x1;
	s4 =	sadd.s32 s21, s2  }
0x9d: {  	[timem:s6], [sflag:s22] =	dma.local [hbm:s4], s20  }
0x9e: {  	_ =	swait.ge [sflag:s22], s20  }
0x9f: {  	s3 =	ssub.s32 $0x0, s20;
	[sflag:s22] =	ssyncset.done $0x0  }
0xa0: {  	[sflag:s22] =	ssyncadd.s32 s3;
	_ =	sdelay $0x1  }
0xa1: {  	s23 =	simm.s32 $0x1B8B  }
0xa2: {  	_ =	swait.ge [sflag:s23], $0x1  }
0xa3: {  	[sflag:s23] =	ssyncset.done $0x0  }
0xa4: {  	s25 =	simm.s32 $0x1B8E;
	s24 =	sld [smem:$0x3FFE];
	[sflag:s23] =	ssyncadd.s32 $0xFFFFFFFF  }
0xa5: {  	s26 =	simm.s32 $execute0_lowered;
	[smem:$0x3FD2] =	sst s25  }
0xa6: {  	s4 =	sshll.u32 s26, $0x1;
	_ =	strace $0x80000046;
	[dreg:$0x1] =	wrdreg $0xFFFFFFFF  }
0xa7: {  	s28 =	simm.s32 $_size_execute0_lowered;
	s2 =	sadd.s32 s2, s4;
	[dreg:$0x0] =	wrdreg $0x0  }
0xa8: {  	s4 =	sshll.u32 s28, $0x1;
	[dreg:$0x2] =	wrdreg s2  }
0xa9: {  	[dreg:$0x3] =	wrdreg s4  }
0xaa: {  	[dreg:$0x4] =	wrdreg $0xC0  }
0xab: {  	_ =	task [dreg:s6], $0x5FFFF  }
0xac: {  	[dreg:$0x1] =	wrdreg $0xFFFFFFFF  }
0xad: {  	[dreg:$0x0] =	wrdreg $0x60  }
0xae: {  	[dreg:$0x2] =	wrdreg s24  }
0xaf: {  	[dreg:$0x3] =	wrdreg $0x9  }
0xb0: {  	_ =	task.clear_ibuf [dreg:s6], $0x4FFFF;
	_ =	strace $0x90000046  }
0xb1: {  	s29 =	simm.s32 $0x9;
	_ =	strace $0x80000048  }
0xb2: {  	_ =	swait.ge [sflag:s29], $0x1  }
0xb3: {  	[sflag:s29] =	ssyncadd.s32 $0xFFFFFFFF  }
0xb4: {  	_ =	strace $0x90000048  }
0xb5: {  	_ =	sfence  }
0xb6: {  	s30 =	sld [smem:$0x0];
	_ =	sdelay $0x2  }
0xb7: {  	s31 =	sshll.u32 s1, $0xD;
	s1 =	sshrl.u32 s1, $0x2  }
0xb8: {  	s3 =	sand.u32 $0x4000, s31;
	s1 =	sadd.s32 s1, s30  }
0xb9: {  	s0 =	sor.u32 s3, s0;
	s1 =	sshll.u32 s1, $0x11  }
0xba: {  	s0 =	sor.u32 s1, s0  }
0xbb: {  	s0 =	sadd.s32 $0x8F2B, s0  }
0xbc: {  	[sflag:s0] =	ssyncadd.remote.s32 $0x1  }
0xbd: {  	_ =	sfence.sel $0xFFFF  }
0xbe: {  	[dreg:$0x0] =	wrdreg $0xFFFFFFFF;
	(pc) =	sbr.abs _section_cstart, $3  }
0xbf: {  	[dreg:$0x1] =	wrdreg $0xFFFFFFFF  }
0xc0: {  	_ =	task.clear_ibuf [dreg:s6], $0x2FFFF;
	_ =	strace $0x9FFFFFFF  }
0xc1: {  	(tm) =	ssettm $0x7FFFFFFF  }
tec
execute0_lowered:
.L_overlay_start_1:
0x0: {  	(tag) =	ssettag $0x1  }
0x1: {  	s1 =	srdreg.scid;
	s0 =	stileid.u32  }
0x2: {  	s4 =	rddreg [dreg:$0x0];
	s2 =	simm.s32 $0x0;
	s9 =	simm.s32 $0x6400  }
0x3: {  	s10 =	simm.s32 $0xC800;
	s11 =	simm.s32 $0x64C8;
	s12 =	simm.s32 $0x12C00  }
0x4: {  	s13 =	simm.s32 $0x1;
	s14 =	simm.s32 $0x2;
	s15 =	simm.s32 $0x19000  }
0x5: {  	s3 =	sand.u32 $0x1, s1;
	s31 =	sshll.u32 s0, $0x1;
	s1 =	rddreg [dreg:$0x1]  }
0x6: {  	s16 =	simm.s32 $0x0;
	[smem:$0x7FF] =	sst s2;
	s5 =	sor.u32 s3, s31  }
.Ltmp0:
0x7: {  	_ =	strace $0x80000047;
	s7 =	ssub.s32 $0x2, s3;
	(pc) =	sbr.rel .LBB2_1-.Ltmp0, $4  }
0x8: {  	s6 =	smul.u32 $0xC80, s5;
	s5 =	sshll.u32 s5, $0xA;
	s8 =	sshrl.u32 s7, $0x1  }
0x9: {  	s3 =	sadd.s32 $0xF42C00, s4;
	s5 =	sadd.s32 s5, s4;
	s7 =	ssub.s32 s7, s8  }
0xa: {  	v0 =	vlaneseq.u32;
	s8 =	simm.s32 $0xC8;
	s6 =	sadd.s32 s6, s4;
	s5 =	sadd.s32 $0x19800, s5  }
0xb: {  	v1 =	vor.u32 $0x10, v0;
	v2 =	vor.u32 $0x20, v0;
	v3 =	vor.u32 $0x30, v0;
	s4 =	sadd.s32 $0x800, s6;
	s6 =	smax.u32 s7, $0x1;
	s7 =	simm.s32 $0x3  }
.LBB2_10:
0xc: {  	s16 =	sadd.s32 $0x1, s16  }
0xd: {  	p0 =	sne.s32 s16, s6  }
.Ltmp1:
0xe: {  	_ = 	snop;
	(pc) =	sbr.rel @!p0 .LBB2_11-.Ltmp1, $4  }
0xf: {  	[hbm4b:s5+s2] =	stream.linear.scatter [tilespmem:s15], [sflag:$0x3], $0x2000, $0x38;
	[tilespmem:$0x1B000] =	vst v63  }
0x10: {  	_ =	swait.ge [sflag:s7], $0x2000  }
0x11: {  	[sflag:s7] =	ssyncset.done $0x0  }
0x12: {  	[sflag:s7] =	ssyncadd.s32 $0xFFFFE000  }
.LBB2_1:
0x13: {  	[tilespmem:s2], [sflag:$0x3] =	stream.linear.gather [hbm4b:s4+s2], $0x6400, $0x38;
	[tilespmem:$0x1B000] =	vst v63  }
0x14: {  	_ =	swait.ge [sflag:s7], $0x6400  }
0x15: {  	[sflag:s7] =	ssyncset.done $0x0  }
0x16: {  	s18 =	simm.s32 $0x40;
	[sflag:s7] =	ssyncadd.s32 $0xFFFF9C00  }
0x17: {  	v4 =	vld [tilespmem:s18+$0xFFFFFFC0];
	_ =	sdelay $0x4  }
0x18: {  	s17 =	simm.s32 $0x6440;
	v4 =	vshrl.u32 v4, $0x1  }
0x19: {  	[tilespmem:s17+$0xFFFFFFC0] =	vst v4  }
0x1a: {  	v4 =	vld [tilespmem:s18+$0xFFFFFFD0];
	_ =	sdelay $0x4  }
0x1b: {  	v4 =	vshrl.u32 v4, $0x1  }
0x1c: {  	[tilespmem:s17+$0xFFFFFFD0] =	vst v4  }
0x1d: {  	v4 =	vld [tilespmem:s18+$0xFFFFFFE0];
	_ =	sdelay $0x4  }
0x1e: {  	v4 =	vshrl.u32 v4, $0x1  }
0x1f: {  	[tilespmem:s17+$0xFFFFFFE0] =	vst v4  }
0x20: {  	v4 =	vld [tilespmem:s18+$0xFFFFFFF0];
	_ =	sdelay $0x4  }
0x21: {  	v4 =	vshrl.u32 v4, $0x1  }
0x22: {  	[tilespmem:s17+$0xFFFFFFF0] =	vst v4  }
0x23: {  	v4 =	vld [tilespmem:s18+$0x0];
	_ =	sdelay $0x4  }
0x24: {  	v4 =	vshrl.u32 v4, $0x1  }
0x25: {  	[tilespmem:s17+$0x0] =	vst v4  }
0x26: {  	v4 =	vld [tilespmem:s18+$0x10];
	_ =	sdelay $0x4  }
0x27: {  	v4 =	vshrl.u32 v4, $0x1  }
0x28: {  	[tilespmem:s17+$0x10] =	vst v4  }
0x29: {  	v4 =	vld [tilespmem:s18+$0x20];
	_ =	sdelay $0x4  }
0x2a: {  	v4 =	vshrl.u32 v4, $0x1  }
0x2b: {  	[tilespmem:s17+$0x20] =	vst v4  }
0x2c: {  	v4 =	vld [tilespmem:s18+$0x30];
	_ =	sdelay $0x4  }
0x2d: {  	v4 =	vshrl.u32 v4, $0x1  }
0x2e: {  	s19 =	simm.s32 $0xC0;
	s18 =	simm.s32 $0x0;
	[tilespmem:s17+$0x30] =	vst v4  }
.LBB2_2:
0x2f: {  	v4 =	vld [tilespmem:s19+$0xFFFFFFC0];
	s18 =	sadd.s32 $0x8, s18  }
0x30: {  	p0 =	slt.u32 s18, $0x638;
	_ =	sdelay $0x3  }
0x31: {  	s17 =	sadd.s32 $0x80, s17;
	v4 =	vshrl.u32 v4, $0x1  }
0x32: {  	[tilespmem:s17+$0xFFFFFFC0] =	vst v4  }
0x33: {  	v4 =	vld [tilespmem:s19+$0xFFFFFFD0];
	_ =	sdelay $0x4  }
0x34: {  	v4 =	vshrl.u32 v4, $0x1  }
0x35: {  	[tilespmem:s17+$0xFFFFFFD0] =	vst v4  }
0x36: {  	v4 =	vld [tilespmem:s19+$0xFFFFFFE0];
	_ =	sdelay $0x4  }
0x37: {  	v4 =	vshrl.u32 v4, $0x1  }
0x38: {  	[tilespmem:s17+$0xFFFFFFE0] =	vst v4  }
0x39: {  	v4 =	vld [tilespmem:s19+$0xFFFFFFF0];
	_ =	sdelay $0x4  }
0x3a: {  	v4 =	vshrl.u32 v4, $0x1  }
0x3b: {  	[tilespmem:s17+$0xFFFFFFF0] =	vst v4  }
0x3c: {  	v4 =	vld [tilespmem:s19+$0x0];
	_ =	sdelay $0x4  }
0x3d: {  	v4 =	vshrl.u32 v4, $0x1  }
0x3e: {  	[tilespmem:s17+$0x0] =	vst v4  }
0x3f: {  	v4 =	vld [tilespmem:s19+$0x10];
	_ =	sdelay $0x4  }
0x40: {  	v4 =	vshrl.u32 v4, $0x1  }
0x41: {  	[tilespmem:s17+$0x10] =	vst v4  }
0x42: {  	v4 =	vld [tilespmem:s19+$0x20];
	_ =	sdelay $0x4  }
0x43: {  	v4 =	vshrl.u32 v4, $0x1  }
0x44: {  	[tilespmem:s17+$0x20] =	vst v4  }
0x45: {  	v4 =	vld [tilespmem:s19+$0x30];
	_ =	sdelay $0x1  }
.Ltmp2:
0x46: {  	(pc) =	sbr.rel @p0 .LBB2_2-.Ltmp2, $3  }
0x47: {  	_ =	sdelay $0x1  }
0x48: {  	v4 =	vshrl.u32 v4, $0x1  }
0x49: {  	s19 =	sadd.s32 $0x80, s19;
	[tilespmem:s17+$0x30] =	vst v4  }
0x4a: {  	[tilespmem:s10], [sflag:$0x1] =	stream.indirect.gather [hbm4b:s3+s8], $0x80, s9, s8, $0xb8;
	[tilespmem:$0x1B000] =	vst v63  }
0x4b: {  	s17 =	simm.s32 $0x0;
	s18 =	simm.s32 $0x0  }
0x4c: {  	[tilespmem:s12], [sflag:$0x2] =	stream.indirect.gather [hbm4b:s3+s8], $0x80, s11, s8, $0xb8;
	[tilespmem:$0x1B000] =	vst v63  }
.LBB2_4:
0x4d: {  	s19 =	sadd.s32 $0x0, s17  }
0x4e: {  	v4 =	vmov s19  }
0x4f: {  	v4 =	vand.u32 $0xFFFFFFFC, v4  }
0x50: {  	s20 =	sadd.s32 $0x2, s19;
	v4 =	vbroadcast v4, $0x0  }
0x51: {  	v5 =	vmov s20  }
0x52: {  	v5 =	vand.u32 $0xFFFFFFFE, v5  }
0x53: {  	_ =	swait.ge [sflag:s13], $0x6400;
	v5 =	vbroadcast v5, $0x0  }
0x54: {  	[sflag:s13] =	ssyncset.done $0x0  }
0x55: {  	s23 =	sadd.s32 $0x1, s19;
	[sflag:s13] =	ssyncadd.s32 $0xFFFF9C00  }
0x56: {  	v6 =	vmov s23;
	v4 =	vld.idx.msk [tilespmem:v4+s2+$0x0], $0xffff  }
0x57: {  	v6 =	vand.u32 $0xFFFFFFFD, v6  }
0x58: {  	v6 =	vbroadcast v6, $0x0  }
0x59: {  	v5 =	vld.idx.msk [tilespmem:v5+s2+$0x0], $0xffff  }
0x5a: {  	s19 =	sadd.s32 $0x3, s19  }
0x5b: {  	v7 =	vmov s19;
	v4 =	vshll.u32 v4, $0x6  }
0x5c: {  	s24 =	simm.s32 $0x0;
	v4 =	vand.u32 $0x40, v4  }
0x5d: {  	s21 =	sadd.s32 $0x4, s17;
	v8 =	vor.u32 s24, v4  }
0x5e: {  	v6 =	vld.idx.msk [tilespmem:v6+s2+$0x0], $0xffff;
	v5 =	vshll.u32 v5, $0x6;
	v4 =	vmov s21;
	v9 =	vor.u32 v0, v8  }
0x5f: {  	s25 =	sadd.s32 $0x2, s21;
	v5 =	vand.u32 $0x40, v5;
	v4 =	vand.u32 $0xFFFFFFFC, v4;
	v10 =	vor.u32 v1, v8  }
0x60: {  	s26 =	simm.s32 $0x100;
	v15 =	vld.idx.msk [tilespmem:v7+s2+$0x0], $0xffff;
	v12 =	vor.u32 v3, v8;
	v11 =	vbroadcast v4, $0x0;
	v4 =	vmov s25  }
0x61: {  	v5 =	vor.u32 s26, v5;
	v4 =	vand.u32 $0xFFFFFFFE, v4  }
0x62: {  	v18 =	vor.u32 v2, v5;
	v13 =	vbroadcast v4, $0x0  }
0x63: {  	v6 =	vshll.u32 v6, $0x6;
	v7 =	vld.idx.msk [tilespmem:v9+s10+$0x0], $0xffff  }
0x64: {  	s29 =	simm.s32 $0x80;
	v6 =	vand.u32 $0x40, v6;
	v8 =	vor.u32 v2, v8;
	v4 =	vld.idx.msk [tilespmem:v10+s10+$0x0], $0xffff  }
0x65: {  	v20 =	vor.u32 s29, v6;
	v6 =	vshll.u32 v15, $0x6;
	v9 =	vor.u32 v0, v5;
	v10 =	vld.idx.msk [tilespmem:v12+s10+$0x0], $0xffff  }
0x66: {  	s31 =	simm.s32 $0x180;
	s28 =	sadd.s32 $0x1, s21;
	v17 =	vor.u32 v3, v5;
	v6 =	vand.u32 $0x40, v6;
	v16 =	vld.idx.msk [tilespmem:v11+s2+$0x0], $0xffff  }
0x67: {  	s30 =	sadd.s32 $0x3, s21;
	v19 =	vor.u32 v1, v5;
	v24 =	vor.u32 s31, v6;
	v6 =	vld.idx.msk [tilespmem:v18+s10+$0x0], $0xffff;
	v11 =	vmov s28  }
0x68: {  	v22 =	vmov s30;
	v11 =	vand.u32 $0xFFFFFFFD, v11;
	v13 =	vld.idx.msk [tilespmem:v13+s2+$0x0], $0xffff  }
0x69: {  	v23 =	vor.u32 v0, v20;
	v12 =	vbroadcast v11, $0x0;
	v11 =	vld.idx.msk [tilespmem:v8+s10+$0x0], $0xffff  }
0x6a: {  	v14 =	vimm.f32 $0.0e+00;
	v15 =	vor.u32 v3, v20;
	v5 =	vld.idx.msk [tilespmem:v9+s10+$0x0], $0xffff  }
0x6b: {  	v25 =	vor.u32 v1, v20;
	v26 =	vor.u32 v2, v20;
	v9 =	vld.idx.msk [tilespmem:v17+s10+$0x0], $0xffff;
	v8 =	vshll.u32 v16, $0x6  }
0x6c: {  	v20 =	vimm.f32 $0.0e+00;
	v21 =	vor.u32 v0, v24;
	v16 =	vand.u32 $0x40, v8;
	v8 =	vld.idx.msk [tilespmem:v19+s10+$0x0], $0xffff  }
0x6d: {  	s19 =	simm.s32 $0x200;
	v27 =	vor.u32 v2, v24;
	v29 =	vor.u32 v3, v24;
	v30 =	vshll.u32 v13, $0x6;
	v13 =	vld.idx.msk [tilespmem:v22+s2+$0x0], $0xffff  }
0x6e: {  	v19 =	vimm.f32 $0.0e+00;
	v17 =	vor.u32 s19, v16;
	v22 =	vld.idx.msk [tilespmem:v23+s10+$0x0], $0xffff;
	v23 =	vimm.f32 $0.0e+00  }
0x6f: {  	s22 =	simm.s32 $0x300;
	s20 =	simm.s32 $0x8;
	v16 =	vld.idx.msk [tilespmem:v15+s10+$0x0], $0xffff;
	v28 =	vor.u32 v0, v17;
	v18 =	vor.u32 v1, v17;
	v15 =	vor.u32 v3, v17  }
.LBB2_5:
0x70: {  	s23 =	sadd.s32 s20, s17  }
0x71: {  	p0 =	slt.u32 s20, $0xC4;
	v30 =	vand.u32 $0x40, v30;
	v14 =	vadd.f32 v7, v14;
	v25 =	vld.idx.msk [tilespmem:v25+s10+$0x0], $0xffff;
	s21 =	smov.u32 s20;
	s20 =	sadd.s32 $0x4, s20  }
0x72: {  	v24 =	vor.u32 v1, v24;
	v7 =	vmov s23;
	s24 =	sadd.s32 $0x1, s23;
	s25 =	sadd.s32 $0x2, s23;
	v30 =	vor.u32 s22, v30;
	v26 =	vld.idx.msk [tilespmem:v26+s10+$0x0], $0xffff  }
0x73: {  	v10 =	vadd.f32 v10, v23;
	v7 =	vand.u32 $0xFFFFFFFC, v7;
	v31 =	vmov s24;
	v32 =	vld.idx.msk [tilespmem:v12+s2+$0x0], $0xffff  }
0x74: {  	v4 =	vadd.f32 v4, v20;
	v23 =	vbroadcast v7, $0x0;
	v7 =	vmov s25;
	v33 =	vld.idx.msk [tilespmem:v27+s10+$0x0], $0xffff  }
0x75: {  	v12 =	vand.u32 $0xFFFFFFFD, v31;
	v10 =	vadd.f32 v16, v10;
	v7 =	vand.u32 $0xFFFFFFFE, v7;
	v16 =	vld.idx.msk [tilespmem:v21+s10+$0x0], $0xffff  }
0x76: {  	v11 =	vadd.f32 v11, v19;
	v14 =	vadd.f32 v22, v14;
	v20 =	vbroadcast v7, $0x0;
	v7 =	vld.idx.msk [tilespmem:v28+s10+$0x0], $0xffff  }
0x77: {  	v19 =	vadd.f32 v25, v4;
	v22 =	vadd.f32 v9, v10;
	v27 =	vld.idx.msk [tilespmem:v29+s10+$0x0], $0xffff  }
0x78: {  	v12 =	vbroadcast v12, $0x0;
	v9 =	vor.u32 v0, v30;
	v5 =	vadd.f32 v5, v14;
	v21 =	vld.idx.msk [tilespmem:v24+s10+$0x0], $0xffff  }
0x79: {  	v17 =	vor.u32 v2, v17;
	v11 =	vadd.f32 v26, v11;
	v10 =	vshll.u32 v32, $0x6;
	v4 =	vld.idx.msk [tilespmem:v18+s10+$0x0], $0xffff  }
0x7a: {  	s22 =	sadd.s32 $0x80, s19;
	v14 =	vand.u32 $0x40, v10;
	v18 =	vld.idx.msk [tilespmem:v23+s2+$0x0], $0xffff;
	v23 =	vor.u32 v3, v30  }
0x7b: {  	s23 =	sadd.s32 $0x3, s23;
	v28 =	vor.u32 v2, v30;
	v29 =	vadd.f32 v6, v11;
	v10 =	vld.idx.msk [tilespmem:v15+s10+$0x0], $0xffff;
	v15 =	vor.u32 s22, v14  }
0x7c: {  	v32 =	vmov s23;
	v30 =	vor.u32 v1, v30;
	v14 =	vadd.f32 v16, v5;
	v31 =	vld.idx.msk [tilespmem:v20+s2+$0x0], $0xffff  }
0x7d: {  	v8 =	vadd.f32 v8, v19;
	v6 =	vshll.u32 v13, $0x6;
	v34 =	vor.u32 v0, v15;
	v5 =	vld.idx.msk [tilespmem:v9+s10+$0x0], $0xffff  }
0x7e: {  	s19 =	sadd.s32 $0x180, s19;
	v6 =	vand.u32 $0x40, v6;
	v25 =	vor.u32 v1, v15;
	v16 =	vor.u32 v3, v15;
	v11 =	vld.idx.msk [tilespmem:v17+s10+$0x0], $0xffff  }
0x7f: {  	v24 =	vor.u32 s19, v6;
	v26 =	vor.u32 v2, v15;
	v20 =	vadd.f32 v21, v8;
	v9 =	vld.idx.msk [tilespmem:v23+s10+$0x0], $0xffff  }
.Ltmp3:
0x80: {  	v21 =	vor.u32 v0, v24;
	v8 =	vshll.u32 v18, $0x6;
	v23 =	vadd.f32 v27, v22;
	v6 =	vld.idx.msk [tilespmem:v28+s10+$0x0], $0xffff;
	(pc) =	sbr.rel @p0 .LBB2_5-.Ltmp3, $4  }
0x81: {  	s19 =	sshll.u32 s21, $0x7;
	v19 =	vadd.f32 v33, v29;
	v27 =	vor.u32 v2, v24;
	v13 =	vand.u32 $0x40, v8;
	v8 =	vld.idx.msk [tilespmem:v30+s10+$0x0], $0xffff  }
0x82: {  	s22 =	sadd.s32 $0x100, s19;
	v17 =	vor.u32 s19, v13;
	v30 =	vshll.u32 v31, $0x6;
	v13 =	vld.idx.msk [tilespmem:v32+s2+$0x0], $0xffff  }
0x83: {  	v28 =	vor.u32 v0, v17;
	v18 =	vor.u32 v1, v17;
	v16 =	vld.idx.msk [tilespmem:v16+s10+$0x0], $0xffff  }
0x84: {  	v29 =	vor.u32 v3, v24;
	v15 =	vor.u32 v3, v17;
	v22 =	vld.idx.msk [tilespmem:v34+s10+$0x0], $0xffff  }
0x85: {  	_ =	sdelay $0x3  }
0x86: {  	v25 =	vld.idx.msk [tilespmem:v25+s10+$0x0], $0xffff  }
0x87: {  	v26 =	vld.idx.msk [tilespmem:v26+s10+$0x0], $0xffff  }
0x88: {  	v12 =	vld.idx.msk [tilespmem:v12+s2+$0x0], $0xffff  }
0x89: {  	v27 =	vld.idx.msk [tilespmem:v27+s10+$0x0], $0xffff  }
0x8a: {  	v24 =	vor.u32 v1, v24;
	v30 =	vand.u32 $0x40, v30;
	v21 =	vld.idx.msk [tilespmem:v21+s10+$0x0], $0xffff  }
0x8b: {  	v28 =	vld.idx.msk [tilespmem:v28+s10+$0x0], $0xffff;
	v17 =	vor.u32 v2, v17;
	v30 =	vor.u32 s22, v30  }
0x8c: {  	v29 =	vld.idx.msk [tilespmem:v29+s10+$0x0], $0xffff;
	v31 =	vor.u32 v0, v30  }
0x8d: {  	v18 =	vld.idx.msk [tilespmem:v18+s10+$0x0], $0xffff;
	v7 =	vadd.f32 v7, v14;
	v32 =	vor.u32 v3, v30;
	v12 =	vshll.u32 v12, $0x6  }
0x8e: {  	s20 =	sadd.s32 $0x80, s19;
	v14 =	vld.idx.msk [tilespmem:v15+s10+$0x0], $0xffff;
	v10 =	vadd.f32 v10, v23;
	v33 =	vor.u32 v2, v30;
	v12 =	vand.u32 $0x40, v12  }
0x8f: {  	v4 =	vadd.f32 v4, v20;
	v15 =	vor.u32 v1, v30;
	v24 =	vld.idx.msk [tilespmem:v24+s10+$0x0], $0xffff;
	v12 =	vor.u32 s20, v12  }
0x90: {  	v11 =	vadd.f32 v11, v19;
	v13 =	vshll.u32 v13, $0x6;
	v17 =	vld.idx.msk [tilespmem:v17+s10+$0x0], $0xffff;
	v20 =	vor.u32 v0, v12  }
0x91: {  	v13 =	vand.u32 $0x40, v13;
	v7 =	vadd.f32 v22, v7;
	v23 =	vld.idx.msk [tilespmem:v31+s10+$0x0], $0xffff;
	v22 =	vor.u32 v2, v12  }
0x92: {  	s22 =	sadd.s32 $0x180, s19;
	v4 =	vadd.f32 v25, v4;
	v30 =	vld.idx.msk [tilespmem:v32+s10+$0x0], $0xffff;
	v19 =	vor.u32 v1, v12;
	v12 =	vor.u32 v3, v12  }
0x93: {  	v13 =	vor.u32 s22, v13;
	v5 =	vadd.f32 v5, v7;
	v7 =	vadd.f32 v26, v11;
	v25 =	vld.idx.msk [tilespmem:v33+s10+$0x0], $0xffff  }
0x94: {  	v10 =	vadd.f32 v16, v10;
	v16 =	vor.u32 v1, v13;
	v11 =	vor.u32 v0, v13;
	v15 =	vld.idx.msk [tilespmem:v15+s10+$0x0], $0xffff  }
0x95: {  	v4 =	vadd.f32 v8, v4;
	v6 =	vadd.f32 v6, v7;
	v7 =	vor.u32 v2, v13;
	v8 =	vld.idx.msk [tilespmem:v20+s10+$0x0], $0xffff  }
0x96: {  	v9 =	vadd.f32 v9, v10;
	v10 =	vor.u32 v3, v13;
	v5 =	vadd.f32 v21, v5;
	v13 =	vld.idx.msk [tilespmem:v22+s10+$0x0], $0xffff  }
0x97: {  	v6 =	vadd.f32 v27, v6;
	v12 =	vld.idx.msk [tilespmem:v12+s10+$0x0], $0xffff  }
0x98: {  	v9 =	vadd.f32 v29, v9;
	v5 =	vadd.f32 v28, v5;
	v19 =	vld.idx.msk [tilespmem:v19+s10+$0x0], $0xffff  }
0x99: {  	v4 =	vadd.f32 v24, v4;
	v11 =	vld.idx.msk [tilespmem:v11+s10+$0x0], $0xffff;
	v6 =	vadd.f32 v17, v6  }
0x9a: {  	v9 =	vadd.f32 v14, v9;
	v7 =	vld.idx.msk [tilespmem:v7+s10+$0x0], $0xffff;
	v5 =	vadd.f32 v8, v5  }
0x9b: {  	v10 =	vld.idx.msk [tilespmem:v10+s10+$0x0], $0xffff;
	v4 =	vadd.f32 v18, v4;
	v6 =	vadd.f32 v13, v6  }
0x9c: {  	v8 =	vld.idx.msk [tilespmem:v16+s10+$0x0], $0xffff;
	v9 =	vadd.f32 v12, v9;
	v5 =	vadd.f32 v23, v5  }
0x9d: {  	v4 =	vadd.f32 v19, v4;
	v6 =	vadd.f32 v25, v6  }
0x9e: {  	s23 =	sshll.u32 s18, $0x7;
	s24 =	sadd.s32 $0x0, s17;
	v9 =	vadd.f32 v30, v9;
	v5 =	vadd.f32 v11, v5  }
0x9f: {  	p0 =	seq.s32 s18, $0x3F;
	s19 =	sand.u32 $0x3FFFFF80, s23;
	s21 =	sadd.s32 $0xC8, s24;
	v4 =	vadd.f32 v15, v4;
	v6 =	vadd.f32 v7, v6  }
0xa0: {  	s22 =	smul.u32 @!p0 $0x640, s18;
	v7 =	vadd.f32 v10, v9;
	[tilespmem:s19+$0x19000] =	vst v5;
	v5 =	vmov s21  }
0xa1: {  	s31 =	sadd.s32 $0x4, s17;
	s23 =	sadd.s32 $0xC9, s24;
	s25 =	sadd.s32 $0xCA, s24;
	v4 =	vadd.f32 v8, v4;
	[tilespmem:s19+$0x19020] =	vst v6;
	v5 =	vand.u32 $0xFFFFFFFC, v5  }
0xa2: {  	s20 =	sadd.s32 $0xCB, s24;
	s24 =	sadd.s32 $0xC9, s31;
	s21 =	sshra.s32 @!p0 s22, $0x2;
	[tilespmem:s19+$0x19030] =	vst v7;
	v5 =	vbroadcast v5, $0x0  }
0xa3: {  	v14 =	vmov s24;
	s22 =	simm.s32 @!p0 $0xC8;
	[tilespmem:s19+$0x19010] =	vst v4;
	v4 =	vmov s23;
	s21 =	sadd.s32 @!p0 $0x6590, s21;
	s23 =	simm.s32 @!p0 $0xC800  }
0xa4: {  	v14 =	vand.u32 $0xFFFFFFFD, v14;
	[tilespmem:s23], [sflag:$0x1] =	stream.indirect.gather @!p0 [hbm4b:s3+s22], $0x80, s21, s22, $0xb8;
	[tilespmem:$0x1B000] =	vst v63  }
0xa5: {  	v14 =	vbroadcast v14, $0x0;
	v9 =	vmov s20;
	v4 =	vand.u32 $0xFFFFFFFD, v4;
	_ =	swait.ge [sflag:s14], $0x6400  }
0xa6: {  	v6 =	vbroadcast v4, $0x0;
	[sflag:s14] =	ssyncset.done $0x0  }
0xa7: {  	s23 =	sadd.s32 $0xC8, s31;
	v4 =	vmov s25;
	[sflag:s14] =	ssyncadd.s32 $0xFFFF9C00  }
0xa8: {  	v13 =	vmov s23;
	v7 =	vand.u32 $0xFFFFFFFE, v4;
	v5 =	vld.idx.msk [tilespmem:v5+s2+$0x0], $0xffff  }
0xa9: {  	s30 =	simm.s32 $0x180;
	v13 =	vand.u32 $0xFFFFFFFC, v13;
	v7 =	vbroadcast v7, $0x0  }
0xaa: {  	s28 =	simm.s32 $0x0;
	v12 =	vmov s30;
	s30 =	simm.s32 $0x300;
	v13 =	vbroadcast v13, $0x0;
	v9 =	vld.idx.msk [tilespmem:v9+s2+$0x0], $0xffff  }
0xab: {  	s26 =	simm.s32 $0x80;
	s29 =	simm.s32 $0x100;
	v12 =	vadd.s32 $0x6400, v12;
	v21 =	vmov s30;
	v10 =	vmov s28;
	v29 =	vld.idx.msk [tilespmem:v14+s2+$0x0], $0xffff  }
0xac: {  	v11 =	vmov s29;
	v8 =	vmov s26;
	v10 =	vadd.s32 $0x6400, v10;
	v6 =	vld.idx.msk [tilespmem:v6+s2+$0x0], $0xffff  }
0xad: {  	v8 =	vadd.s32 $0x6400, v8;
	v10 =	vbroadcast v10, $0x0;
	v5 =	vshll.u32 v5, $0x6  }
0xae: {  	v11 =	vadd.s32 $0x6400, v11;
	v8 =	vbroadcast v8, $0x0;
	v5 =	vand.u32 $0x40, v5  }
0xaf: {  	s28 =	sadd.s32 $0xCB, s31;
	v4 =	vimm.f32 $0.0e+00;
	v7 =	vld.idx.msk [tilespmem:v7+s2+$0x0], $0xffff;
	v9 =	vshll.u32 v9, $0x6;
	v5 =	vor.u32 v10, v5  }
0xb0: {  	v28 =	vld.idx.msk [tilespmem:v13+s2+$0x0], $0xffff;
	v13 =	vmov s28;
	v29 =	vshll.u32 v29, $0x6;
	v15 =	vor.u32 v0, v5  }
0xb1: {  	v9 =	vand.u32 $0x40, v9;
	v6 =	vshll.u32 v6, $0x6;
	v16 =	vor.u32 v3, v5  }
0xb2: {  	s25 =	sadd.s32 $0xCA, s31;
	v6 =	vand.u32 $0x40, v6;
	v10 =	vbroadcast v12, $0x0;
	v19 =	vor.u32 v1, v5  }
0xb3: {  	v12 =	vmov s25;
	v6 =	vor.u32 v8, v6;
	v14 =	vor.u32 v2, v5  }
0xb4: {  	v8 =	vbroadcast v11, $0x0;
	v7 =	vshll.u32 v7, $0x6;
	v11 =	vor.u32 v0, v6  }
0xb5: {  	v28 =	vshll.u32 v28, $0x6;
	v17 =	vor.u32 v2, v6;
	v18 =	vor.u32 v3, v6;
	v15 =	vld.idx.msk [tilespmem:v15+s10+$0x0], $0xffff  }
0xb6: {  	s26 =	simm.s32 $0x280;
	v20 =	vor.u32 v1, v6;
	v6 =	vand.u32 $0xFFFFFFFE, v12;
	v7 =	vand.u32 $0x40, v7;
	v23 =	vld.idx.msk [tilespmem:v16+s10+$0x0], $0xffff  }
0xb7: {  	v12 =	vmov s26;
	v7 =	vor.u32 v8, v7;
	v8 =	vor.u32 v10, v9;
	v19 =	vld.idx.msk [tilespmem:v19+s10+$0x0], $0xffff  }
0xb8: {  	v6 =	vbroadcast v6, $0x0;
	v30 =	vor.u32 v1, v7;
	v10 =	vor.u32 v3, v8;
	v22 =	vld.idx.msk [tilespmem:v14+s10+$0x0], $0xffff  }
0xb9: {  	v25 =	vor.u32 v2, v7;
	v31 =	vor.u32 v3, v7;
	v26 =	vor.u32 v2, v8;
	v5 =	vld.idx.msk [tilespmem:v11+s10+$0x0], $0xffff  }
0xba: {  	s29 =	simm.s32 $0x200;
	v16 =	vor.u32 v0, v8;
	v11 =	vadd.s32 $0x6400, v12;
	v9 =	vld.idx.msk [tilespmem:v18+s10+$0x0], $0xffff;
	v18 =	vor.u32 v1, v8  }
0xbb: {  	s31 =	simm.s32 $0x380;
	v12 =	vor.u32 v0, v7;
	v7 =	vmov s29;
	v17 =	vld.idx.msk [tilespmem:v17+s10+$0x0], $0xffff;
	v8 =	vadd.s32 $0x6400, v21  }
0xbc: {  	v20 =	vld.idx.msk [tilespmem:v20+s10+$0x0], $0xffff;
	v24 =	vadd.s32 $0x6400, v7;
	v7 =	vmov s31;
	v27 =	vbroadcast v11, $0x0  }
0xbd: {  	v8 =	vbroadcast v8, $0x0;
	v11 =	vimm.f32 $0.0e+00;
	v7 =	vadd.s32 $0x6400, v7;
	v14 =	vld.idx.msk [tilespmem:v30+s10+$0x0], $0xffff  }
0xbe: {  	s20 =	simm.s32 $0x8;
	v7 =	vbroadcast v7, $0x0;
	v21 =	vadd.f32 v15, v4;
	v23 =	vadd.f32 v23, v4;
	v15 =	vld.idx.msk [tilespmem:v31+s10+$0x0], $0xffff  }
.LBB2_7:
0xbf: {  	s21 =	sadd.s32 s20, s17  }
0xc0: {  	p1 =	slt.u32 s20, $0xC4;
	v28 =	vand.u32 $0x40, v28;
	v29 =	vand.u32 $0x40, v29;
	v9 =	vadd.f32 v9, v23;
	v23 =	vld.idx.msk [tilespmem:v25+s10+$0x0], $0xffff;
	s22 =	smov.u32 s20;
	s20 =	sadd.s32 $0x4, s20  }
0xc1: {  	v4 =	vadd.f32 v19, v4;
	v11 =	vadd.f32 v22, v11;
	s23 =	sadd.s32 $0xC8, s21;
	s24 =	sadd.s32 $0xC9, s21;
	s25 =	sadd.s32 $0xCA, s21;
	v25 =	vor.u32 v27, v29;
	v19 =	vld.idx.msk [tilespmem:v26+s10+$0x0], $0xffff  }
0xc2: {  	v24 =	vbroadcast v24, $0x0;
	v22 =	vmov s23;
	v26 =	vmov s24;
	v13 =	vld.idx.msk [tilespmem:v13+s2+$0x0], $0xffff  }
0xc3: {  	v11 =	vadd.f32 v17, v11;
	v22 =	vand.u32 $0xFFFFFFFC, v22;
	v26 =	vand.u32 $0xFFFFFFFD, v26;
	v17 =	vld.idx.msk [tilespmem:v18+s10+$0x0], $0xffff  }
0xc4: {  	v5 =	vadd.f32 v5, v21;
	v18 =	vbroadcast v22, $0x0;
	v22 =	vbroadcast v26, $0x0;
	v26 =	vld.idx.msk [tilespmem:v6+s2+$0x0], $0xffff  }
0xc5: {  	v21 =	vor.u32 v2, v25;
	v4 =	vadd.f32 v20, v4;
	v6 =	vmov s25;
	v12 =	vld.idx.msk [tilespmem:v12+s10+$0x0], $0xffff  }
0xc6: {  	v20 =	vor.u32 v0, v25;
	v27 =	vor.u32 v1, v25;
	v11 =	vadd.f32 v23, v11;
	v10 =	vld.idx.msk [tilespmem:v10+s10+$0x0], $0xffff  }
0xc7: {  	v4 =	vadd.f32 v14, v4;
	v9 =	vadd.f32 v15, v9;
	v23 =	vor.u32 v24, v28;
	v14 =	vld.idx.msk [tilespmem:v16+s10+$0x0], $0xffff  }
0xc8: {  	v15 =	vor.u32 v0, v23;
	v16 =	vor.u32 v1, v23;
	v13 =	vshll.u32 v13, $0x6  }
0xc9: {  	s22 =	sshll.u32 s22, $0x7;
	v24 =	vor.u32 v3, v23;
	v28 =	vand.u32 $0x40, v13;
	v4 =	vadd.f32 v17, v4  }
0xca: {  	s23 =	sadd.s32 $0x80, s22;
	v6 =	vand.u32 $0xFFFFFFFE, v6;
	v11 =	vadd.f32 v19, v11;
	v17 =	vor.u32 v3, v25;
	v29 =	vld.idx.msk [tilespmem:v18+s2+$0x0], $0xffff  }
0xcb: {  	v6 =	vbroadcast v6, $0x0;
	v13 =	vmov s23;
	v12 =	vadd.f32 v12, v5;
	v30 =	vld.idx.msk [tilespmem:v22+s2+$0x0], $0xffff  }
0xcc: {  	v31 =	vadd.s32 $0x6400, v13;
	v13 =	vshll.u32 v26, $0x6;
	v22 =	vor.u32 v2, v23;
	v5 =	vld.idx.msk [tilespmem:v20+s10+$0x0], $0xffff  }
0xcd: {  	s21 =	sadd.s32 $0xCB, s21;
	v18 =	vand.u32 $0x40, v13;
	v23 =	vadd.f32 v10, v9;
	v14 =	vadd.f32 v14, v12;
	v15 =	vld.idx.msk [tilespmem:v15+s10+$0x0], $0xffff  }
0xce: {  	v7 =	vor.u32 v7, v28;
	v13 =	vmov s21;
	v8 =	vor.u32 v8, v18;
	v32 =	vld.idx.msk [tilespmem:v24+s10+$0x0], $0xffff  }
0xcf: {  	v18 =	vor.u32 v1, v7;
	v10 =	vor.u32 v3, v7;
	v28 =	vor.u32 v1, v8;
	v9 =	vld.idx.msk [tilespmem:v17+s10+$0x0], $0xffff  }
0xd0: {  	s21 =	sadd.s32 $0x100, s22;
	v12 =	vor.u32 v0, v8;
	v25 =	vor.u32 v2, v8;
	v33 =	vor.u32 v3, v8;
	v19 =	vld.idx.msk [tilespmem:v16+s10+$0x0], $0xffff  }
.Ltmp4:
0xd1: {  	v8 =	vmov s22;
	v20 =	vmov s21;
	s21 =	sadd.s32 $0x180, s22;
	v16 =	vor.u32 v0, v7;
	v22 =	vld.idx.msk [tilespmem:v22+s10+$0x0], $0xffff;
	(pc) =	sbr.rel @p1 .LBB2_7-.Ltmp4, $4  }
0xd2: {  	v26 =	vor.u32 v2, v7;
	v24 =	vadd.s32 $0x6400, v8;
	v8 =	vmov s21;
	v17 =	vld.idx.msk [tilespmem:v21+s10+$0x0], $0xffff  }
0xd3: {  	v34 =	vadd.s32 $0x6400, v8;
	v7 =	vadd.s32 $0x6400, v20;
	v21 =	vadd.f32 v15, v14;
	v20 =	vld.idx.msk [tilespmem:v27+s10+$0x0], $0xffff  }
0xd4: {  	v8 =	vbroadcast v7, $0x0;
	v27 =	vbroadcast v31, $0x0;
	v23 =	vadd.f32 v32, v23;
	v14 =	vld.idx.msk [tilespmem:v28+s10+$0x0], $0xffff  }
0xd5: {  	v7 =	vbroadcast v34, $0x0;
	v28 =	vshll.u32 v29, $0x6;
	v29 =	vshll.u32 v30, $0x6;
	v15 =	vld.idx.msk [tilespmem:v33+s10+$0x0], $0xffff  }
0xd6: {  	_ =	sdelay $0x3  }
0xd7: {  	v25 =	vld.idx.msk [tilespmem:v25+s10+$0x0], $0xffff  }
0xd8: {  	v29 =	vand.u32 $0x40, v29;
	v26 =	vld.idx.msk [tilespmem:v26+s10+$0x0], $0xffff  }
0xd9: {  	v13 =	vld.idx.msk [tilespmem:v13+s2+$0x0], $0xffff;
	v27 =	vor.u32 v27, v29  }
0xda: {  	v6 =	vld.idx.msk [tilespmem:v6+s2+$0x0], $0xffff;
	v29 =	vor.u32 v0, v27  }
0xdb: {  	v24 =	vbroadcast v24, $0x0;
	v18 =	vld.idx.msk [tilespmem:v18+s10+$0x0], $0xffff;
	v31 =	vor.u32 v3, v27  }
0xdc: {  	v28 =	vand.u32 $0x40, v28;
	v12 =	vld.idx.msk [tilespmem:v12+s10+$0x0], $0xffff;
	v33 =	vor.u32 v2, v27  }
0xdd: {  	v10 =	vld.idx.msk [tilespmem:v10+s10+$0x0], $0xffff;
	v24 =	vor.u32 v24, v28;
	v45 =	vor.u32 v1, v27  }
0xde: {  	v16 =	vld.idx.msk [tilespmem:v16+s10+$0x0], $0xffff;
	v28 =	vor.u32 v0, v24  }
0xdf: {  	v30 =	vor.u32 v3, v24;
	v6 =	vshll.u32 v6, $0x6;
	v29 =	vld.idx.msk [tilespmem:v29+s10+$0x0], $0xffff  }
0xe0: {  	v32 =	vor.u32 v1, v24;
	v6 =	vand.u32 $0x40, v6;
	v47 =	vld.idx.msk [tilespmem:v31+s10+$0x0], $0xffff  }
0xe1: {  	v24 =	vor.u32 v2, v24;
	v6 =	vor.u32 v8, v6;
	v52 =	vld.idx.msk [tilespmem:v33+s10+$0x0], $0xffff  }
0xe2: {  	v4 =	vadd.f32 v19, v4;
	v8 =	vld.idx.msk [tilespmem:v45+s10+$0x0], $0xffff;
	v48 =	vor.u32 v1, v6  }
0xe3: {  	v11 =	vadd.f32 v22, v11;
	v13 =	vshll.u32 v13, $0x6;
	v28 =	vld.idx.msk [tilespmem:v28+s10+$0x0], $0xffff;
	v50 =	vor.u32 v3, v6  }
0xe4: {  	v5 =	vadd.f32 v5, v21;
	v13 =	vand.u32 $0x40, v13;
	v46 =	vld.idx.msk [tilespmem:v30+s10+$0x0], $0xffff;
	v51 =	vor.u32 v0, v6  }
0xe5: {  	v4 =	vadd.f32 v20, v4;
	v7 =	vor.u32 v7, v13;
	v49 =	vld.idx.msk [tilespmem:v32+s10+$0x0], $0xffff;
	v6 =	vor.u32 v2, v6  }
0xe6: {  	v11 =	vadd.f32 v17, v11;
	v5 =	vadd.f32 v12, v5;
	v24 =	vld.idx.msk [tilespmem:v24+s10+$0x0], $0xffff;
	v53 =	vor.u32 v0, v7  }
0xe7: {  	v9 =	vadd.f32 v9, v23;
	v4 =	vadd.f32 v14, v4;
	v54 =	vor.u32 v1, v7;
	v55 =	vld.idx.msk [tilespmem:v48+s10+$0x0], $0xffff  }
0xe8: {  	v11 =	vadd.f32 v25, v11;
	v5 =	vadd.f32 v16, v5;
	v56 =	vor.u32 v2, v7;
	v57 =	vld.idx.msk [tilespmem:v50+s10+$0x0], $0xffff  }
0xe9: {  	v9 =	vadd.f32 v15, v9;
	v4 =	vadd.f32 v18, v4;
	v7 =	vor.u32 v3, v7;
	v58 =	vld.idx.msk [tilespmem:v51+s10+$0x0], $0xffff  }
0xea: {  	v11 =	vadd.f32 v26, v11;
	v5 =	vadd.f32 v28, v5;
	v6 =	vld.idx.msk [tilespmem:v6+s10+$0x0], $0xffff  }
0xeb: {  	v9 =	vadd.f32 v10, v9;
	v4 =	vadd.f32 v49, v4;
	v59 =	vld.idx.msk [tilespmem:v53+s10+$0x0], $0xffff  }
0xec: {  	v11 =	vadd.f32 v24, v11;
	v60 =	vld.idx.msk [tilespmem:v54+s10+$0x0], $0xffff;
	v5 =	vadd.f32 v29, v5  }
0xed: {  	v9 =	vadd.f32 v46, v9;
	v61 =	vld.idx.msk [tilespmem:v56+s10+$0x0], $0xffff;
	v4 =	vadd.f32 v8, v4  }
0xee: {  	v7 =	vld.idx.msk [tilespmem:v7+s10+$0x0], $0xffff;
	v62 =	vadd.f32 v52, v11;
	v5 =	vadd.f32 v58, v5  }
0xef: {  	v9 =	vadd.f32 v47, v9;
	v4 =	vadd.f32 v55, v4  }
0xf0: {  	v6 =	vadd.f32 v6, v62;
	v5 =	vadd.f32 v59, v5  }
.Ltmp5:
0xf1: {  	v63 =	vadd.f32 v57, v9;
	v4 =	vadd.f32 v60, v4;
	(pc) =	sbr.rel @p0 .LBB2_10-.Ltmp5, $4  }
0xf2: {  	v6 =	vadd.f32 v61, v6;
	[tilespmem:s19+$0x19040] =	vst v5  }
0xf3: {  	v5 =	vadd.f32 v7, v63;
	[tilespmem:s19+$0x19050] =	vst v4  }
0xf4: {  	[tilespmem:s19+$0x19060] =	vst v6  }
0xf5: {  	[tilespmem:s19+$0x19070] =	vst v5  }
0xf6: {  	s19 =	smul.u32 $0x640, s18  }
.Ltmp6:
0xf7: {  	_ = 	snop;
	(pc) =	sbr.rel .LBB2_4-.Ltmp6, $4  }
0xf8: {  	_ = 	snop  }
0xf9: {  	s19 =	sshra.s32 s19, $0x2  }
0xfa: {  	s18 =	sadd.s32 $0x1, s18;
	s17 =	sadd.s32 $0x190, s17;
	s19 =	sadd.s32 $0x6658, s19  }
0xfb: {  	[tilespmem:s12], [sflag:$0x2] =	stream.indirect.gather [hbm4b:s3+s8], $0x80, s19, s8, $0xb8;
	[tilespmem:$0x1B000] =	vst v63  }
.LBB2_11:
0xfc: {  	_ =	sfence.sel $0x180000  }
0xfd: {  	[bflag:$0x0] =	sbarrier.arrive $0xFFFF  }
0xfe: {  	p0 =	sne.s32 s0, $0x0;
	_ =	strace $0x90000047  }
0xff: {  	s0 =	sadd.s32 @!p0 $0x100000, s1;
	[bflag:$0x2] =	sbarrier.arrive $0xFFFF  }
0x100: {  	[sflag:s0] =	ssyncadd.tile.s32 @!p0 $0x1;
	_ =	shalt  }
.Lfunc_end2:
_tile_overlayer_lowered:
.L_overlay_start_2:
0x101: {  	(tag) =	ssettag $0x2  }
0x102: {  	s0 =	rddreg [dreg:$0x0];
	s2 =	stileid.u32  }
0x103: {  	s1 =	rddreg [dreg:$0x1];
	p0 =	sne.s32 s2, $0x0  }
0x104: {  	s3 =	rddreg [dreg:$0x2];
	[bflag:$0x3] =	sbarrier.arrive $0xFFFF;
	s2 =	simm.s32 @!p0 $0x1C03  }
0x105: {  	[timem:s3], [sflag:s2] =	dma.local @!p0 [hbm:s0], s1  }
0x106: {  	s0 =	simm.s32 @!p0 $0x3  }
0x107: {  	_ =	swait.ge @!p0 [sflag:s0], s1  }
0x108: {  	s1 =	ssub.s32 @!p0 $0x0, s1;
	[sflag:s0] =	ssyncset.done @!p0 $0x0  }
0x109: {  	[sflag:s0] =	ssyncadd.s32 @!p0 s1  }
0x10a: {  	[bflag:$0x3] =	sbarrier.arrive $0xFFFF  }
0x10b: {  	_ =	shalt  }

</sc_bundles>
